<compile_context>
chip_gen: v7x
topology: tpu7x:2x2x1
jax: 0.10.2.dev20260603
libtpu: 0.0.44.dev20260713+nightly
codegen_flags: <defaults>
</compile_context>

<pallas_src>
import jax
import jax.numpy as jnp
from jax import lax
from jax.experimental import pallas as pl
from jax.experimental.pallas import tpu as pltpu
from jax.experimental.pallas import tpu_sc as plsc

HIDDEN = 128
CHUNK = 128
LANES = 16
NBUF = 3
KMAX = 98
NBIG = 21


def _sc_kernel_body(nf_hbm, pos_hbm, pe_hbm, out_hbm,
                    pos_v, idx_v, rows_v, nf_v, sem_g, sem_nf, sem_st):
    sid = lax.axis_index("s")
    wid = sid * 2 + lax.axis_index("c")
    kw = jnp.where(wid < NBIG, KMAX, KMAX - 1)
    start_chunk = KMAX * wid - jnp.maximum(wid - NBIG, 0)
    base_row = start_chunk * CHUNK

    @pl.when(wid < NBIG)
    def _():
        pltpu.sync_copy(pos_hbm.at[pl.ds(base_row, KMAX * CHUNK)], pos_v)

    @pl.when(wid >= NBIG)
    def _():
        pltpu.sync_copy(pos_hbm.at[pl.ds(base_row, (KMAX - 1) * CHUNK)],
                        pos_v.at[pl.ds(0, (KMAX - 1) * CHUNK)])

    def idx_body(k, carry):
        for j in range(CHUNK // LANES):
            p = pos_v[pl.ds(k * CHUNK + j * LANES, LANES)]
            idx_v[k, pl.ds(j * LANES, LANES)] = (
                jnp.clip((p * 999.0).astype(jnp.int32), 0, 999))
        return carry

    lax.fori_loop(0, KMAX, idx_body, 0)

    def s1(k):
        @pl.when(k < kw)
        def _():
            b = lax.rem(k, NBUF)

            @pl.when(k >= NBUF)
            def _():
                pltpu.make_async_copy(nf_v.at[b],
                                      out_hbm.at[pl.ds(0, CHUNK)],
                                      sem_st.at[b]).wait()

            pltpu.async_copy(pe_hbm.at[idx_v.at[k]],
                             rows_v.at[b], sem_g.at[b])
            pltpu.async_copy(nf_hbm.at[pl.ds(base_row + k * CHUNK, CHUNK)],
                             nf_v.at[b], sem_nf.at[b])

    def s2(k):
        @pl.when(k < kw)
        def _():
            b = lax.rem(k, NBUF)
            pltpu.make_async_copy(pe_hbm.at[pl.ds(0, CHUNK)],
                                  rows_v.at[b], sem_g.at[b]).wait()
            pltpu.make_async_copy(nf_hbm.at[pl.ds(0, CHUNK)],
                                  nf_v.at[b], sem_nf.at[b]).wait()

            @plsc.parallel_loop(0, CHUNK, step=1, unroll=8)
            def _(r):
                for j in range(HIDDEN // LANES):
                    plsc.addupdate(nf_v.at[b, r, pl.ds(j * LANES, LANES)],
                                   rows_v[b, r, pl.ds(j * LANES, LANES)])

            pltpu.async_copy(nf_v.at[b],
                             out_hbm.at[pl.ds(base_row + k * CHUNK, CHUNK)],
                             sem_st.at[b])

    s1(jnp.int32(0))
    s1(jnp.int32(1))

    def main_body(k, carry):
        s1(k + 2)
        s2(k)
        return carry

    lax.fori_loop(0, kw, main_body, 0)

    for db in range(NBUF):
        b = lax.rem(kw - NBUF + db, NBUF)
        pltpu.make_async_copy(nf_v.at[b], out_hbm.at[pl.ds(0, CHUNK)],
                              sem_st.at[b]).wait()


def _build_sc_call(n_rows):
    mesh = plsc.VectorSubcoreMesh(core_axis_name="c", subcore_axis_name="s")
    return pl.kernel(
        _sc_kernel_body,
        mesh=mesh,
        out_type=jax.ShapeDtypeStruct((n_rows, HIDDEN), jnp.float32),
        scratch_types=[
            pltpu.VMEM((KMAX * CHUNK,), jnp.float32),
            pltpu.VMEM((KMAX, CHUNK), jnp.int32),
            pltpu.VMEM((NBUF, CHUNK, HIDDEN), jnp.float32),
            pltpu.VMEM((NBUF, CHUNK, HIDDEN), jnp.float32),
            pltpu.SemaphoreType.DMA((NBUF,)),
            pltpu.SemaphoreType.DMA((NBUF,)),
            pltpu.SemaphoreType.DMA((NBUF,)),
        ],
    )


def kernel(node_features, layer_positions, pe):
    b, n, h = node_features.shape
    nf = node_features.reshape(b * n, h)
    pos = layer_positions.reshape(b * n)
    table = pe[0]
    out = _build_sc_call(b * n)(nf, pos, table)
    return out.reshape(b, n, h)

# --- scband reference (transcript-rebuilt; emitter-appended) ---
"""Pipeline reference for scband-positional-encoding-11441792876963 (READ-ONLY COPY).

The authoritative reference and input builder live on the scoring server;
editing this copy changes nothing except your own understanding.
"""

import jax, jax.numpy as jnp
import numpy as np
import math

HIDDEN_DIM = 128
MAX_POSITIONS = 1000
BATCH = 8
NUM_NODES = 50000


def _build_pe(max_positions, hidden_dim):
    pe = np.zeros((max_positions, hidden_dim), dtype=np.float32)
    position = np.arange(0, max_positions, dtype=np.float32)[:, None]
    div_term = np.exp(np.arange(0, hidden_dim, 2, dtype=np.float32) * (-math.log(10000.0) / hidden_dim))
    pe[:, 0::2] = np.sin(position * div_term)
    pe[:, 1::2] = np.cos(position * div_term)
    return jnp.asarray(pe[None, :, :])  # [1, max_positions, hidden_dim]


def setup_inputs(seed: int = 0) -> dict:
    key = jax.random.key(seed)
    k1, k2 = jax.random.split(key)
    node_features = jax.random.normal(k1, (BATCH, NUM_NODES, HIDDEN_DIM), dtype=jnp.float32)
    layer_positions = jax.random.uniform(k2, (BATCH, NUM_NODES), dtype=jnp.float32)
    pe = _build_pe(MAX_POSITIONS, HIDDEN_DIM)
    return {"node_features": node_features, "layer_positions": layer_positions, "pe": pe}


def reference(node_features, layer_positions, pe):
    max_pos = pe.shape[1] - 1
    pos_indices = jnp.clip((layer_positions * max_pos).astype(jnp.int32), 0, max_pos)
    # gather rows of the PE table: [B, N] indices into [max_positions, H]
    pos_encoding = jnp.take(pe[0], pos_indices, axis=0)  # [B, N, H]
    return node_features + pos_encoding

if __name__ == "__main__":
    import jax
    _d = setup_inputs()
    print(jax.jit(kernel)(*tuple(_d.values())))

</pallas_src>

<mosaic_0001>
#map = affine_map<(d0, d1) -> (0, 0)>
#map1 = affine_map<(d0, d1) -> (0)>
module attributes {stable_mosaic.version = 14 : i64} {
  func.func @_sc_kernel_body(%arg0: i32, %arg1: i32, %arg2: memref<400000x128xf32, #tpu.memory_space<hbm>>, %arg3: memref<400000xf32, #tpu.memory_space<hbm>>, %arg4: memref<1000x128xf32, #tpu.memory_space<hbm>>, %arg5: memref<400000x128xf32, #tpu.memory_space<hbm>>, %arg6: memref<12544xf32, #tpu.memory_space<vmem>>, %arg7: memref<98x128xi32, #tpu.memory_space<vmem>>, %arg8: memref<3x128x128xf32, #tpu.memory_space<vmem>>, %arg9: memref<3x128x128xf32, #tpu.memory_space<vmem>>, %arg10: memref<3x!tpu.dma_semaphore, #tpu.memory_space<semaphore_mem>>, %arg11: memref<3x!tpu.dma_semaphore, #tpu.memory_space<semaphore_mem>>, %arg12: memref<3x!tpu.dma_semaphore, #tpu.memory_space<semaphore_mem>>) attributes {dimension_semantics = [#tpu.dimension_semantics<core_parallel>, #tpu.dimension_semantics<subcore_parallel>], iteration_bounds = array<i64: 2, 16>, scalar_prefetch = 0 : i64, scratch_operands = 7 : i64, tpu.core_type = #tpu.core_type<sc_vector_subcore>, window_params = [{transform_indices = #map}, {transform_indices = #map1}, {transform_indices = #map}, {transform_indices = #map}]} {
    %mul3A = arith.constant 2 : i32
    %mul3A_0 = arith.muli %arg1, %mul3A : i32
    %add3A = arith.addi %mul3A_0, %arg0 : i32
    %lt3A = arith.constant 21 : i32
    %lt3A_1 = arith.cmpi slt, %add3A, %lt3A : i32
    %jit3A = arith.constant 98 : i32
    %jit3A_2 = arith.constant 97 : i32
    %select_n3A = arith.select %lt3A_1, %jit3A, %jit3A_2 : i32
    %mul3A_3 = arith.constant 98 : i32
    %mul3A_4 = arith.muli %mul3A_3, %add3A : i32
    %sub3A = arith.constant 21 : i32
    %sub3A_5 = arith.subi %add3A, %sub3A : i32
    %max3A = arith.constant 0 : i32
    %max3A_6 = arith.maxsi %sub3A_5, %max3A : i32
    %sub3A_7 = arith.subi %mul3A_4, %max3A_6 : i32
    %mul3A_8 = arith.constant 128 : i32
    %mul3A_9 = arith.muli %sub3A_7, %mul3A_8 : i32
    %lt3A_10 = arith.constant 21 : i32
    %lt3A_11 = arith.cmpi slt, %add3A, %lt3A_10 : i32
    %convert_element_type3A = arith.extui %lt3A_11 : i1 to i32
    %cond3A = arith.constant 0 : i32
    %cond3A_12 = arith.cmpi ne, %convert_element_type3A, %cond3A : i32
    scf.if %cond3A_12 {
      "tpu.region"() ({
        %run_scoped3A = tpu.sem_alloc : memref<!tpu.dma_semaphore, #tpu.memory_space<semaphore_mem>>
        %dma_start3A = tpu.memref_slice %arg3[%mul3A_9] : memref<400000xf32, #tpu.memory_space<hbm>> -> memref<12544xf32, #tpu.memory_space<hbm>>
        %dma_start3A_107 = tpu.memref_slice %arg3[%mul3A_9] : memref<400000xf32, #tpu.memory_space<hbm>> -> memref<12544xf32, #tpu.memory_space<hbm>>
        tpu.enqueue_dma source(%dma_start3A_107 : memref<12544xf32, #tpu.memory_space<hbm>>) target(%arg6 : memref<12544xf32, #tpu.memory_space<vmem>>) target_semaphore(%run_scoped3A : memref<!tpu.dma_semaphore, #tpu.memory_space<semaphore_mem>>)
        %dma_wait3A_108 = tpu.memref_slice %arg3[%mul3A_9] : memref<400000xf32, #tpu.memory_space<hbm>> -> memref<12544xf32, #tpu.memory_space<hbm>>
        %dma_wait3A_109 = tpu.memref_slice %arg3[%mul3A_9] : memref<400000xf32, #tpu.memory_space<hbm>> -> memref<12544xf32, #tpu.memory_space<hbm>>
        tpu.wait_dma2 semaphore(%run_scoped3A : memref<!tpu.dma_semaphore, #tpu.memory_space<semaphore_mem>>) src(%dma_wait3A_109 : memref<12544xf32, #tpu.memory_space<hbm>>) dst(%arg6 : memref<12544xf32, #tpu.memory_space<vmem>>)
        tpu.yield
      }) : () -> ()
    } else {
    }
    %ge3A = arith.constant 21 : i32
    %ge3A_13 = arith.cmpi sge, %add3A, %ge3A : i32
    %convert_element_type3A_14 = arith.extui %ge3A_13 : i1 to i32
    %cond3A_15 = arith.constant 0 : i32
    %cond3A_16 = arith.cmpi ne, %convert_element_type3A_14, %cond3A_15 : i32
    scf.if %cond3A_16 {
      "tpu.region"() ({
        %run_scoped3A = tpu.sem_alloc : memref<!tpu.dma_semaphore, #tpu.memory_space<semaphore_mem>>
        %dma_start3A = arith.constant 0 : i32
        %dma_start3A_107 = tpu.memref_slice %arg6[%dma_start3A] : memref<12544xf32, #tpu.memory_space<vmem>> -> memref<12416xf32, #tpu.memory_space<vmem>>
        %dma_start3A_108 = tpu.memref_slice %arg3[%mul3A_9] : memref<400000xf32, #tpu.memory_space<hbm>> -> memref<12416xf32, #tpu.memory_space<hbm>>
        %dma_start3A_109 = arith.constant 0 : i32
        %dma_start3A_110 = tpu.memref_slice %arg6[%dma_start3A_109] : memref<12544xf32, #tpu.memory_space<vmem>> -> memref<12416xf32, #tpu.memory_space<vmem>>
        %dma_start3A_111 = tpu.memref_slice %arg3[%mul3A_9] : memref<400000xf32, #tpu.memory_space<hbm>> -> memref<12416xf32, #tpu.memory_space<hbm>>
        tpu.enqueue_dma source(%dma_start3A_111 : memref<12416xf32, #tpu.memory_space<hbm>>) target(%dma_start3A_110 : memref<12416xf32, #tpu.memory_space<vmem>>) target_semaphore(%run_scoped3A : memref<!tpu.dma_semaphore, #tpu.memory_space<semaphore_mem>>)
        %dma_wait3A_112 = arith.constant 0 : i32
        %dma_wait3A_113 = tpu.memref_slice %arg6[%dma_wait3A_112] : memref<12544xf32, #tpu.memory_space<vmem>> -> memref<12416xf32, #tpu.memory_space<vmem>>
        %dma_wait3A_114 = tpu.memref_slice %arg3[%mul3A_9] : memref<400000xf32, #tpu.memory_space<hbm>> -> memref<12416xf32, #tpu.memory_space<hbm>>
        %dma_wait3A_115 = arith.constant 0 : i32
        %dma_wait3A_116 = tpu.memref_slice %arg6[%dma_wait3A_115] : memref<12544xf32, #tpu.memory_space<vmem>> -> memref<12416xf32, #tpu.memory_space<vmem>>
        %dma_wait3A_117 = tpu.memref_slice %arg3[%mul3A_9] : memref<400000xf32, #tpu.memory_space<hbm>> -> memref<12416xf32, #tpu.memory_space<hbm>>
        tpu.wait_dma2 semaphore(%run_scoped3A : memref<!tpu.dma_semaphore, #tpu.memory_space<semaphore_mem>>) src(%dma_wait3A_117 : memref<12416xf32, #tpu.memory_space<hbm>>) dst(%dma_wait3A_116 : memref<12416xf32, #tpu.memory_space<vmem>>)
        tpu.yield
      }) : () -> ()
    } else {
    }
    %scan3A = arith.constant 0 : i32
    %scan3A_17 = arith.constant 0 : i32
    %scan3A_18 = arith.constant 98 : i32
    %scan3A_19 = arith.addi %scan3A_17, %scan3A_18 : i32
    %scan3A_20 = arith.constant 1 : i32
    scf.for %scan3A_107 = %scan3A_17 to %scan3A_19 step %scan3A_20  : i32 {
      %mul3A_108 = arith.constant 128 : i32
      %mul3A_109 = arith.muli %scan3A_107, %mul3A_108 : i32
      %add3A_110 = arith.constant 0 : i32
      %add3A_111 = arith.addi %mul3A_109, %add3A_110 : i32
      %get3A = arith.index_cast %add3A_111 : i32 to index
      %get3A_112 = tpu.vector_load %arg6[%get3A] {strides = array<i32>} : memref<12544xf32, #tpu.memory_space<vmem>>, vector<16xf32>,
      %get3A_113 = vector.shape_cast %get3A_112 : vector<16xf32> to vector<16xf32>
      %mul3A_114 = arith.constant 9.990000e+02 : f32
      %mul3A_115 = vector.broadcast %mul3A_114 : f32 to vector<16xf32>
      %mul3A_116 = arith.mulf %get3A_113, %mul3A_115 : vector<16xf32>
      %convert_element_type3A_117 = arith.fptosi %mul3A_116 : vector<16xf32> to vector<16xi32>
      %jit3A_118 = arith.constant 0 : i32
      %jit3A_119 = arith.constant 999 : i32
      %max3A_120 = vector.broadcast %jit3A_118 : i32 to vector<16xi32>
      %max3A_121 = arith.maxsi %max3A_120, %convert_element_type3A_117 : vector<16xi32>
      %min3A = vector.broadcast %jit3A_119 : i32 to vector<16xi32>
      %min3A_122 = arith.minsi %min3A, %max3A_121 : vector<16xi32>
      %swap3A = arith.index_cast %scan3A_107 : i32 to index
      %swap3A_123 = arith.constant 0 : index
      %swap3A_124 = tpu.vector_load %arg7[%swap3A, %swap3A_123] {strides = array<i32>} : memref<98x128xi32, #tpu.memory_space<vmem>>, vector<1x16xi32>,
      %swap3A_125 = vector.shape_cast %swap3A_124 : vector<1x16xi32> to vector<16xi32>
      %swap3A_126 = vector.shape_cast %min3A_122 : vector<16xi32> to vector<1x16xi32>
      tpu.vector_store %arg7[%swap3A, %swap3A_123], %swap3A_126 {strides = array<i32>} : memref<98x128xi32, #tpu.memory_space<vmem>>, vector<1x16xi32>,
      %mul3A_127 = arith.constant 128 : i32
      %mul3A_128 = arith.muli %scan3A_107, %mul3A_127 : i32
      %add3A_129 = arith.constant 16 : i32
      %add3A_130 = arith.addi %mul3A_128, %add3A_129 : i32
      %get3A_131 = arith.index_cast %add3A_130 : i32 to index
      %get3A_132 = tpu.vector_load %arg6[%get3A_131] {strides = array<i32>} : memref<12544xf32, #tpu.memory_space<vmem>>, vector<16xf32>,
      %get3A_133 = vector.shape_cast %get3A_132 : vector<16xf32> to vector<16xf32>
      %mul3A_134 = arith.constant 9.990000e+02 : f32
      %mul3A_135 = vector.broadcast %mul3A_134 : f32 to vector<16xf32>
      %mul3A_136 = arith.mulf %get3A_133, %mul3A_135 : vector<16xf32>
      %convert_element_type3A_137 = arith.fptosi %mul3A_136 : vector<16xf32> to vector<16xi32>
      %jit3A_138 = arith.constant 0 : i32
      %jit3A_139 = arith.constant 999 : i32
      %max3A_140 = vector.broadcast %jit3A_138 : i32 to vector<16xi32>
      %max3A_141 = arith.maxsi %max3A_140, %convert_element_type3A_137 : vector<16xi32>
      %min3A_142 = vector.broadcast %jit3A_139 : i32 to vector<16xi32>
      %min3A_143 = arith.minsi %min3A_142, %max3A_141 : vector<16xi32>
      %swap3A_144 = arith.index_cast %scan3A_107 : i32 to index
      %swap3A_145 = arith.constant 16 : index
      %swap3A_146 = tpu.vector_load %arg7[%swap3A_144, %swap3A_145] {strides = array<i32>} : memref<98x128xi32, #tpu.memory_space<vmem>>, vector<1x16xi32>,
      %swap3A_147 = vector.shape_cast %swap3A_146 : vector<1x16xi32> to vector<16xi32>
      %swap3A_148 = vector.shape_cast %min3A_143 : vector<16xi32> to vector<1x16xi32>
      tpu.vector_store %arg7[%swap3A_144, %swap3A_145], %swap3A_148 {strides = array<i32>} : memref<98x128xi32, #tpu.memory_space<vmem>>, vector<1x16xi32>,
      %mul3A_149 = arith.constant 128 : i32
      %mul3A_150 = arith.muli %scan3A_107, %mul3A_149 : i32
      %add3A_151 = arith.constant 32 : i32
      %add3A_152 = arith.addi %mul3A_150, %add3A_151 : i32
      %get3A_153 = arith.index_cast %add3A_152 : i32 to index
      %get3A_154 = tpu.vector_load %arg6[%get3A_153] {strides = array<i32>} : memref<12544xf32, #tpu.memory_space<vmem>>, vector<16xf32>,
      %get3A_155 = vector.shape_cast %get3A_154 : vector<16xf32> to vector<16xf32>
      %mul3A_156 = arith.constant 9.990000e+02 : f32
      %mul3A_157 = vector.broadcast %mul3A_156 : f32 to vector<16xf32>
      %mul3A_158 = arith.mulf %get3A_155, %mul3A_157 : vector<16xf32>
      %convert_element_type3A_159 = arith.fptosi %mul3A_158 : vector<16xf32> to vector<16xi32>
      %jit3A_160 = arith.constant 0 : i32
      %jit3A_161 = arith.constant 999 : i32
      %max3A_162 = vector.broadcast %jit3A_160 : i32 to vector<16xi32>
      %max3A_163 = arith.maxsi %max3A_162, %convert_element_type3A_159 : vector<16xi32>
      %min3A_164 = vector.broadcast %jit3A_161 : i32 to vector<16xi32>
      %min3A_165 = arith.minsi %min3A_164, %max3A_163 : vector<16xi32>
      %swap3A_166 = arith.index_cast %scan3A_107 : i32 to index
      %swap3A_167 = arith.constant 32 : index
      %swap3A_168 = tpu.vector_load %arg7[%swap3A_166, %swap3A_167] {strides = array<i32>} : memref<98x128xi32, #tpu.memory_space<vmem>>, vector<1x16xi32>,
      %swap3A_169 = vector.shape_cast %swap3A_168 : vector<1x16xi32> to vector<16xi32>
      %swap3A_170 = vector.shape_cast %min3A_165 : vector<16xi32> to vector<1x16xi32>
      tpu.vector_store %arg7[%swap3A_166, %swap3A_167], %swap3A_170 {strides = array<i32>} : memref<98x128xi32, #tpu.memory_space<vmem>>, vector<1x16xi32>,
      %mul3A_171 = arith.constant 128 : i32
      %mul3A_172 = arith.muli %scan3A_107, %mul3A_171 : i32
      %add3A_173 = arith.constant 48 : i32
      %add3A_174 = arith.addi %mul3A_172, %add3A_173 : i32
      %get3A_175 = arith.index_cast %add3A_174 : i32 to index
      %get3A_176 = tpu.vector_load %arg6[%get3A_175] {strides = array<i32>} : memref<12544xf32, #tpu.memory_space<vmem>>, vector<16xf32>,
      %get3A_177 = vector.shape_cast %get3A_176 : vector<16xf32> to vector<16xf32>
      %mul3A_178 = arith.constant 9.990000e+02 : f32
      %mul3A_179 = vector.broadcast %mul3A_178 : f32 to vector<16xf32>
      %mul3A_180 = arith.mulf %get3A_177, %mul3A_179 : vector<16xf32>
      %convert_element_type3A_181 = arith.fptosi %mul3A_180 : vector<16xf32> to vector<16xi32>
      %jit3A_182 = arith.constant 0 : i32
      %jit3A_183 = arith.constant 999 : i32
      %max3A_184 = vector.broadcast %jit3A_182 : i32 to vector<16xi32>
      %max3A_185 = arith.maxsi %max3A_184, %convert_element_type3A_181 : vector<16xi32>
      %min3A_186 = vector.broadcast %jit3A_183 : i32 to vector<16xi32>
      %min3A_187 = arith.minsi %min3A_186, %max3A_185 : vector<16xi32>
      %swap3A_188 = arith.index_cast %scan3A_107 : i32 to index
      %swap3A_189 = arith.constant 48 : index
      %swap3A_190 = tpu.vector_load %arg7[%swap3A_188, %swap3A_189] {strides = array<i32>} : memref<98x128xi32, #tpu.memory_space<vmem>>, vector<1x16xi32>,
      %swap3A_191 = vector.shape_cast %swap3A_190 : vector<1x16xi32> to vector<16xi32>
      %swap3A_192 = vector.shape_cast %min3A_187 : vector<16xi32> to vector<1x16xi32>
      tpu.vector_store %arg7[%swap3A_188, %swap3A_189], %swap3A_192 {strides = array<i32>} : memref<98x128xi32, #tpu.memory_space<vmem>>, vector<1x16xi32>,
      %mul3A_193 = arith.constant 128 : i32
      %mul3A_194 = arith.muli %scan3A_107, %mul3A_193 : i32
      %add3A_195 = arith.constant 64 : i32
      %add3A_196 = arith.addi %mul3A_194, %add3A_195 : i32
      %get3A_197 = arith.index_cast %add3A_196 : i32 to index
      %get3A_198 = tpu.vector_load %arg6[%get3A_197] {strides = array<i32>} : memref<12544xf32, #tpu.memory_space<vmem>>, vector<16xf32>,
      %get3A_199 = vector.shape_cast %get3A_198 : vector<16xf32> to vector<16xf32>
      %mul3A_200 = arith.constant 9.990000e+02 : f32
      %mul3A_201 = vector.broadcast %mul3A_200 : f32 to vector<16xf32>
      %mul3A_202 = arith.mulf %get3A_199, %mul3A_201 : vector<16xf32>
      %convert_element_type3A_203 = arith.fptosi %mul3A_202 : vector<16xf32> to vector<16xi32>
      %jit3A_204 = arith.constant 0 : i32
      %jit3A_205 = arith.constant 999 : i32
      %max3A_206 = vector.broadcast %jit3A_204 : i32 to vector<16xi32>
      %max3A_207 = arith.maxsi %max3A_206, %convert_element_type3A_203 : vector<16xi32>
      %min3A_208 = vector.broadcast %jit3A_205 : i32 to vector<16xi32>
      %min3A_209 = arith.minsi %min3A_208, %max3A_207 : vector<16xi32>
      %swap3A_210 = arith.index_cast %scan3A_107 : i32 to index
      %swap3A_211 = arith.constant 64 : index
      %swap3A_212 = tpu.vector_load %arg7[%swap3A_210, %swap3A_211] {strides = array<i32>} : memref<98x128xi32, #tpu.memory_space<vmem>>, vector<1x16xi32>,
      %swap3A_213 = vector.shape_cast %swap3A_212 : vector<1x16xi32> to vector<16xi32>
      %swap3A_214 = vector.shape_cast %min3A_209 : vector<16xi32> to vector<1x16xi32>
      tpu.vector_store %arg7[%swap3A_210, %swap3A_211], %swap3A_214 {strides = array<i32>} : memref<98x128xi32, #tpu.memory_space<vmem>>, vector<1x16xi32>,
      %mul3A_215 = arith.constant 128 : i32
      %mul3A_216 = arith.muli %scan3A_107, %mul3A_215 : i32
      %add3A_217 = arith.constant 80 : i32
      %add3A_218 = arith.addi %mul3A_216, %add3A_217 : i32
      %get3A_219 = arith.index_cast %add3A_218 : i32 to index
      %get3A_220 = tpu.vector_load %arg6[%get3A_219] {strides = array<i32>} : memref<12544xf32, #tpu.memory_space<vmem>>, vector<16xf32>,
      %get3A_221 = vector.shape_cast %get3A_220 : vector<16xf32> to vector<16xf32>
      %mul3A_222 = arith.constant 9.990000e+02 : f32
      %mul3A_223 = vector.broadcast %mul3A_222 : f32 to vector<16xf32>
      %mul3A_224 = arith.mulf %get3A_221, %mul3A_223 : vector<16xf32>
      %convert_element_type3A_225 = arith.fptosi %mul3A_224 : vector<16xf32> to vector<16xi32>
      %jit3A_226 = arith.constant 0 : i32
      %jit3A_227 = arith.constant 999 : i32
      %max3A_228 = vector.broadcast %jit3A_226 : i32 to vector<16xi32>
      %max3A_229 = arith.maxsi %max3A_228, %convert_element_type3A_225 : vector<16xi32>
      %min3A_230 = vector.broadcast %jit3A_227 : i32 to vector<16xi32>
      %min3A_231 = arith.minsi %min3A_230, %max3A_229 : vector<16xi32>
      %swap3A_232 = arith.index_cast %scan3A_107 : i32 to index
      %swap3A_233 = arith.constant 80 : index
      %swap3A_234 = tpu.vector_load %arg7[%swap3A_232, %swap3A_233] {strides = array<i32>} : memref<98x128xi32, #tpu.memory_space<vmem>>, vector<1x16xi32>,
      %swap3A_235 = vector.shape_cast %swap3A_234 : vector<1x16xi32> to vector<16xi32>
      %swap3A_236 = vector.shape_cast %min3A_231 : vector<16xi32> to vector<1x16xi32>
      tpu.vector_store %arg7[%swap3A_232, %swap3A_233], %swap3A_236 {strides = array<i32>} : memref<98x128xi32, #tpu.memory_space<vmem>>, vector<1x16xi32>,
      %mul3A_237 = arith.constant 128 : i32
      %mul3A_238 = arith.muli %scan3A_107, %mul3A_237 : i32
      %add3A_239 = arith.constant 96 : i32
      %add3A_240 = arith.addi %mul3A_238, %add3A_239 : i32
      %get3A_241 = arith.index_cast %add3A_240 : i32 to index
      %get3A_242 = tpu.vector_load %arg6[%get3A_241] {strides = array<i32>} : memref<12544xf32, #tpu.memory_space<vmem>>, vector<16xf32>,
      %get3A_243 = vector.shape_cast %get3A_242 : vector<16xf32> to vector<16xf32>
      %mul3A_244 = arith.constant 9.990000e+02 : f32
      %mul3A_245 = vector.broadcast %mul3A_244 : f32 to vector<16xf32>
      %mul3A_246 = arith.mulf %get3A_243, %mul3A_245 : vector<16xf32>
      %convert_element_type3A_247 = arith.fptosi %mul3A_246 : vector<16xf32> to vector<16xi32>
      %jit3A_248 = arith.constant 0 : i32
      %jit3A_249 = arith.constant 999 : i32
      %max3A_250 = vector.broadcast %jit3A_248 : i32 to vector<16xi32>
      %max3A_251 = arith.maxsi %max3A_250, %convert_element_type3A_247 : vector<16xi32>
      %min3A_252 = vector.broadcast %jit3A_249 : i32 to vector<16xi32>
      %min3A_253 = arith.minsi %min3A_252, %max3A_251 : vector<16xi32>
      %swap3A_254 = arith.index_cast %scan3A_107 : i32 to index
      %swap3A_255 = arith.constant 96 : index
      %swap3A_256 = tpu.vector_load %arg7[%swap3A_254, %swap3A_255] {strides = array<i32>} : memref<98x128xi32, #tpu.memory_space<vmem>>, vector<1x16xi32>,
      %swap3A_257 = vector.shape_cast %swap3A_256 : vector<1x16xi32> to vector<16xi32>
      %swap3A_258 = vector.shape_cast %min3A_253 : vector<16xi32> to vector<1x16xi32>
      tpu.vector_store %arg7[%swap3A_254, %swap3A_255], %swap3A_258 {strides = array<i32>} : memref<98x128xi32, #tpu.memory_space<vmem>>, vector<1x16xi32>,
      %mul3A_259 = arith.constant 128 : i32
      %mul3A_260 = arith.muli %scan3A_107, %mul3A_259 : i32
      %add3A_261 = arith.constant 112 : i32
      %add3A_262 = arith.addi %mul3A_260, %add3A_261 : i32
      %get3A_263 = arith.index_cast %add3A_262 : i32 to index
      %get3A_264 = tpu.vector_load %arg6[%get3A_263] {strides = array<i32>} : memref<12544xf32, #tpu.memory_space<vmem>>, vector<16xf32>,
      %get3A_265 = vector.shape_cast %get3A_264 : vector<16xf32> to vector<16xf32>
      %mul3A_266 = arith.constant 9.990000e+02 : f32
      %mul3A_267 = vector.broadcast %mul3A_266 : f32 to vector<16xf32>
      %mul3A_268 = arith.mulf %get3A_265, %mul3A_267 : vector<16xf32>
      %convert_element_type3A_269 = arith.fptosi %mul3A_268 : vector<16xf32> to vector<16xi32>
      %jit3A_270 = arith.constant 0 : i32
      %jit3A_271 = arith.constant 999 : i32
      %max3A_272 = vector.broadcast %jit3A_270 : i32 to vector<16xi32>
      %max3A_273 = arith.maxsi %max3A_272, %convert_element_type3A_269 : vector<16xi32>
      %min3A_274 = vector.broadcast %jit3A_271 : i32 to vector<16xi32>
      %min3A_275 = arith.minsi %min3A_274, %max3A_273 : vector<16xi32>
      %swap3A_276 = arith.index_cast %scan3A_107 : i32 to index
      %swap3A_277 = arith.constant 112 : index
      %swap3A_278 = tpu.vector_load %arg7[%swap3A_276, %swap3A_277] {strides = array<i32>} : memref<98x128xi32, #tpu.memory_space<vmem>>, vector<1x16xi32>,
      %swap3A_279 = vector.shape_cast %swap3A_278 : vector<1x16xi32> to vector<16xi32>
      %swap3A_280 = vector.shape_cast %min3A_275 : vector<16xi32> to vector<1x16xi32>
      tpu.vector_store %arg7[%swap3A_276, %swap3A_277], %swap3A_280 {strides = array<i32>} : memref<98x128xi32, #tpu.memory_space<vmem>>, vector<1x16xi32>,
    }
    %scan3A_21 = arith.constant 98 : i32
    %lt3A_22 = arith.constant 0 : i32
    %lt3A_23 = arith.cmpi slt, %lt3A_22, %select_n3A : i32
    %convert_element_type3A_24 = arith.extui %lt3A_23 : i1 to i32
    %cond3A_25 = arith.constant 0 : i32
    %cond3A_26 = arith.constant 0 : i32
    %cond3A_27 = arith.cmpi ne, %convert_element_type3A_24, %cond3A_26 : i32
    scf.if %cond3A_27 {
      %rem3A_107 = arith.constant 3 : i32
      %rem3A_108 = arith.remsi %cond3A_25, %rem3A_107 : i32
      %ge3A_109 = arith.constant 3 : i32
      %ge3A_110 = arith.cmpi sge, %cond3A_25, %ge3A_109 : i32
      %convert_element_type3A_111 = arith.extui %ge3A_110 : i1 to i32
      %cond3A_112 = arith.constant 0 : i32
      %cond3A_113 = arith.cmpi ne, %convert_element_type3A_111, %cond3A_112 : i32
      scf.if %cond3A_113 {
        %dma_wait3A_142 = arith.constant 0 : i32
        %dma_wait3A_143 = arith.constant 0 : i32
        %dma_wait3A_144 = tpu.memref_slice %arg9[%rem3A_108, %dma_wait3A_142, %dma_wait3A_143] : memref<3x128x128xf32, #tpu.memory_space<vmem>> -> memref<1x128x128xf32, #tpu.memory_space<vmem>>
        %dma_wait3A_145 = tpu.memref_squeeze %dma_wait3A_144 : memref<1x128x128xf32, #tpu.memory_space<vmem>> -> memref<128x128xf32, #tpu.memory_space<vmem>>
        %dma_wait3A_146 = arith.constant 0 : i32
        %dma_wait3A_147 = arith.constant 0 : i32
        %dma_wait3A_148 = tpu.memref_slice %arg5[%dma_wait3A_146, %dma_wait3A_147] : memref<400000x128xf32, #tpu.memory_space<hbm>> -> memref<128x128xf32, #tpu.memory_space<hbm>>
        %dma_wait3A_149 = tpu.memref_slice %arg12[%rem3A_108] : memref<3x!tpu.dma_semaphore, #tpu.memory_space<semaphore_mem>> -> memref<1x!tpu.dma_semaphore, #tpu.memory_space<semaphore_mem>>
        %dma_wait3A_150 = tpu.memref_squeeze %dma_wait3A_149 : memref<1x!tpu.dma_semaphore, #tpu.memory_space<semaphore_mem>> -> memref<!tpu.dma_semaphore, #tpu.memory_space<semaphore_mem>>
        %dma_wait3A_151 = arith.constant 0 : i32
        %dma_wait3A_152 = arith.constant 0 : i32
        %dma_wait3A_153 = tpu.memref_slice %arg5[%dma_wait3A_151, %dma_wait3A_152] : memref<400000x128xf32, #tpu.memory_space<hbm>> -> memref<128x128xf32, #tpu.memory_space<hbm>>
        %dma_wait3A_154 = arith.constant 0 : i32
        %dma_wait3A_155 = arith.constant 0 : i32
        %dma_wait3A_156 = tpu.memref_slice %arg9[%rem3A_108, %dma_wait3A_154, %dma_wait3A_155] : memref<3x128x128xf32, #tpu.memory_space<vmem>> -> memref<1x128x128xf32, #tpu.memory_space<vmem>>
        %dma_wait3A_157 = tpu.memref_squeeze %dma_wait3A_156 : memref<1x128x128xf32, #tpu.memory_space<vmem>> -> memref<128x128xf32, #tpu.memory_space<vmem>>
        tpu.wait_dma2 semaphore(%dma_wait3A_150 : memref<!tpu.dma_semaphore, #tpu.memory_space<semaphore_mem>>) src(%dma_wait3A_157 : memref<128x128xf32, #tpu.memory_space<vmem>>) dst(%dma_wait3A_153 : memref<128x128xf32, #tpu.memory_space<hbm>>)
      } else {
      }
      %dma_start3A = arith.constant 0 : i32
      %dma_start3A_114 = arith.constant 0 : i32
      %dma_start3A_115 = tpu.memref_slice %arg8[%rem3A_108, %dma_start3A, %dma_start3A_114] : memref<3x128x128xf32, #tpu.memory_space<vmem>> -> memref<1x128x128xf32, #tpu.memory_space<vmem>>
      %dma_start3A_116 = tpu.memref_squeeze %dma_start3A_115 : memref<1x128x128xf32, #tpu.memory_space<vmem>> -> memref<128x128xf32, #tpu.memory_space<vmem>>
      %dma_start3A_117 = arith.constant 0 : i32
      %dma_start3A_118 = tpu.memref_slice %arg7[%cond3A_25, %dma_start3A_117] : memref<98x128xi32, #tpu.memory_space<vmem>> -> memref<1x128xi32, #tpu.memory_space<vmem>>
      %dma_start3A_119 = tpu.memref_squeeze %dma_start3A_118 : memref<1x128xi32, #tpu.memory_space<vmem>> -> memref<128xi32, #tpu.memory_space<vmem>>
      %dma_start3A_120 = arith.constant 0 : i32
      %dma_start3A_121 = arith.constant 0 : i32
      %dma_start3A_122 = tpu.memref_slice %arg4[%dma_start3A_120, %dma_start3A_121] : memref<1000x128xf32, #tpu.memory_space<hbm>> -> memref<1000x128xf32, #tpu.memory_space<hbm>>
      %dma_start3A_123 = tpu.memref_slice %arg10[%rem3A_108] : memref<3x!tpu.dma_semaphore, #tpu.memory_space<semaphore_mem>> -> memref<1x!tpu.dma_semaphore, #tpu.memory_space<semaphore_mem>>
      %dma_start3A_124 = tpu.memref_squeeze %dma_start3A_123 : memref<1x!tpu.dma_semaphore, #tpu.memory_space<semaphore_mem>> -> memref<!tpu.dma_semaphore, #tpu.memory_space<semaphore_mem>>
      tpu.enqueue_indirect_dma source(%dma_start3A_122 : memref<1000x128xf32, #tpu.memory_space<hbm>>) target(%dma_start3A_116 : memref<128x128xf32, #tpu.memory_space<vmem>>) offsets(%dma_start3A_119 : memref<128xi32, #tpu.memory_space<vmem>>) semaphore(%dma_start3A_124 : memref<!tpu.dma_semaphore, #tpu.memory_space<semaphore_mem>>)
      %mul3A_125 = arith.constant 128 : i32
      %mul3A_126 = arith.muli %cond3A_25, %mul3A_125 : i32
      %add3A_127 = arith.addi %mul3A_9, %mul3A_126 : i32
      %dma_start3A_128 = arith.constant 0 : i32
      %dma_start3A_129 = arith.constant 0 : i32
      %dma_start3A_130 = tpu.memref_slice %arg9[%rem3A_108, %dma_start3A_128, %dma_start3A_129] : memref<3x128x128xf32, #tpu.memory_space<vmem>> -> memref<1x128x128xf32, #tpu.memory_space<vmem>>
      %dma_start3A_131 = tpu.memref_squeeze %dma_start3A_130 : memref<1x128x128xf32, #tpu.memory_space<vmem>> -> memref<128x128xf32, #tpu.memory_space<vmem>>
      %dma_start3A_132 = arith.constant 0 : i32
      %dma_start3A_133 = tpu.memref_slice %arg2[%add3A_127, %dma_start3A_132] : memref<400000x128xf32, #tpu.memory_space<hbm>> -> memref<128x128xf32, #tpu.memory_space<hbm>>
      %dma_start3A_134 = tpu.memref_slice %arg11[%rem3A_108] : memref<3x!tpu.dma_semaphore, #tpu.memory_space<semaphore_mem>> -> memref<1x!tpu.dma_semaphore, #tpu.memory_space<semaphore_mem>>
      %dma_start3A_135 = tpu.memref_squeeze %dma_start3A_134 : memref<1x!tpu.dma_semaphore, #tpu.memory_space<semaphore_mem>> -> memref<!tpu.dma_semaphore, #tpu.memory_space<semaphore_mem>>
      %dma_start3A_136 = arith.constant 0 : i32
      %dma_start3A_137 = arith.constant 0 : i32
      %dma_start3A_138 = tpu.memref_slice %arg9[%rem3A_108, %dma_start3A_136, %dma_start3A_137] : memref<3x128x128xf32, #tpu.memory_space<vmem>> -> memref<1x128x128xf32, #tpu.memory_space<vmem>>
      %dma_start3A_139 = tpu.memref_squeeze %dma_start3A_138 : memref<1x128x128xf32, #tpu.memory_space<vmem>> -> memref<128x128xf32, #tpu.memory_space<vmem>>
      %dma_start3A_140 = arith.constant 0 : i32
      %dma_start3A_141 = tpu.memref_slice %arg2[%add3A_127, %dma_start3A_140] : memref<400000x128xf32, #tpu.memory_space<hbm>> -> memref<128x128xf32, #tpu.memory_space<hbm>>
      tpu.enqueue_dma source(%dma_start3A_141 : memref<128x128xf32, #tpu.memory_space<hbm>>) target(%dma_start3A_139 : memref<128x128xf32, #tpu.memory_space<vmem>>) target_semaphore(%dma_start3A_135 : memref<!tpu.dma_semaphore, #tpu.memory_space<semaphore_mem>>)
    } else {
    }
    %lt3A_28 = arith.constant 1 : i32
    %lt3A_29 = arith.cmpi slt, %lt3A_28, %select_n3A : i32
    %convert_element_type3A_30 = arith.extui %lt3A_29 : i1 to i32
    %cond3A_31 = arith.constant 1 : i32
    %cond3A_32 = arith.constant 0 : i32
    %cond3A_33 = arith.cmpi ne, %convert_element_type3A_30, %cond3A_32 : i32
    scf.if %cond3A_33 {
      %rem3A_107 = arith.constant 3 : i32
      %rem3A_108 = arith.remsi %cond3A_31, %rem3A_107 : i32
      %ge3A_109 = arith.constant 3 : i32
      %ge3A_110 = arith.cmpi sge, %cond3A_31, %ge3A_109 : i32
      %convert_element_type3A_111 = arith.extui %ge3A_110 : i1 to i32
      %cond3A_112 = arith.constant 0 : i32
      %cond3A_113 = arith.cmpi ne, %convert_element_type3A_111, %cond3A_112 : i32
      scf.if %cond3A_113 {
        %dma_wait3A_142 = arith.constant 0 : i32
        %dma_wait3A_143 = arith.constant 0 : i32
        %dma_wait3A_144 = tpu.memref_slice %arg9[%rem3A_108, %dma_wait3A_142, %dma_wait3A_143] : memref<3x128x128xf32, #tpu.memory_space<vmem>> -> memref<1x128x128xf32, #tpu.memory_space<vmem>>
        %dma_wait3A_145 = tpu.memref_squeeze %dma_wait3A_144 : memref<1x128x128xf32, #tpu.memory_space<vmem>> -> memref<128x128xf32, #tpu.memory_space<vmem>>
        %dma_wait3A_146 = arith.constant 0 : i32
        %dma_wait3A_147 = arith.constant 0 : i32
        %dma_wait3A_148 = tpu.memref_slice %arg5[%dma_wait3A_146, %dma_wait3A_147] : memref<400000x128xf32, #tpu.memory_space<hbm>> -> memref<128x128xf32, #tpu.memory_space<hbm>>
        %dma_wait3A_149 = tpu.memref_slice %arg12[%rem3A_108] : memref<3x!tpu.dma_semaphore, #tpu.memory_space<semaphore_mem>> -> memref<1x!tpu.dma_semaphore, #tpu.memory_space<semaphore_mem>>
        %dma_wait3A_150 = tpu.memref_squeeze %dma_wait3A_149 : memref<1x!tpu.dma_semaphore, #tpu.memory_space<semaphore_mem>> -> memref<!tpu.dma_semaphore, #tpu.memory_space<semaphore_mem>>
        %dma_wait3A_151 = arith.constant 0 : i32
        %dma_wait3A_152 = arith.constant 0 : i32
        %dma_wait3A_153 = tpu.memref_slice %arg5[%dma_wait3A_151, %dma_wait3A_152] : memref<400000x128xf32, #tpu.memory_space<hbm>> -> memref<128x128xf32, #tpu.memory_space<hbm>>
        %dma_wait3A_154 = arith.constant 0 : i32
        %dma_wait3A_155 = arith.constant 0 : i32
        %dma_wait3A_156 = tpu.memref_slice %arg9[%rem3A_108, %dma_wait3A_154, %dma_wait3A_155] : memref<3x128x128xf32, #tpu.memory_space<vmem>> -> memref<1x128x128xf32, #tpu.memory_space<vmem>>
        %dma_wait3A_157 = tpu.memref_squeeze %dma_wait3A_156 : memref<1x128x128xf32, #tpu.memory_space<vmem>> -> memref<128x128xf32, #tpu.memory_space<vmem>>
        tpu.wait_dma2 semaphore(%dma_wait3A_150 : memref<!tpu.dma_semaphore, #tpu.memory_space<semaphore_mem>>) src(%dma_wait3A_157 : memref<128x128xf32, #tpu.memory_space<vmem>>) dst(%dma_wait3A_153 : memref<128x128xf32, #tpu.memory_space<hbm>>)
      } else {
      }
      %dma_start3A = arith.constant 0 : i32
      %dma_start3A_114 = arith.constant 0 : i32
      %dma_start3A_115 = tpu.memref_slice %arg8[%rem3A_108, %dma_start3A, %dma_start3A_114] : memref<3x128x128xf32, #tpu.memory_space<vmem>> -> memref<1x128x128xf32, #tpu.memory_space<vmem>>
      %dma_start3A_116 = tpu.memref_squeeze %dma_start3A_115 : memref<1x128x128xf32, #tpu.memory_space<vmem>> -> memref<128x128xf32, #tpu.memory_space<vmem>>
      %dma_start3A_117 = arith.constant 0 : i32
      %dma_start3A_118 = tpu.memref_slice %arg7[%cond3A_31, %dma_start3A_117] : memref<98x128xi32, #tpu.memory_space<vmem>> -> memref<1x128xi32, #tpu.memory_space<vmem>>
      %dma_start3A_119 = tpu.memref_squeeze %dma_start3A_118 : memref<1x128xi32, #tpu.memory_space<vmem>> -> memref<128xi32, #tpu.memory_space<vmem>>
      %dma_start3A_120 = arith.constant 0 : i32
      %dma_start3A_121 = arith.constant 0 : i32
      %dma_start3A_122 = tpu.memref_slice %arg4[%dma_start3A_120, %dma_start3A_121] : memref<1000x128xf32, #tpu.memory_space<hbm>> -> memref<1000x128xf32, #tpu.memory_space<hbm>>
      %dma_start3A_123 = tpu.memref_slice %arg10[%rem3A_108] : memref<3x!tpu.dma_semaphore, #tpu.memory_space<semaphore_mem>> -> memref<1x!tpu.dma_semaphore, #tpu.memory_space<semaphore_mem>>
      %dma_start3A_124 = tpu.memref_squeeze %dma_start3A_123 : memref<1x!tpu.dma_semaphore, #tpu.memory_space<semaphore_mem>> -> memref<!tpu.dma_semaphore, #tpu.memory_space<semaphore_mem>>
      tpu.enqueue_indirect_dma source(%dma_start3A_122 : memref<1000x128xf32, #tpu.memory_space<hbm>>) target(%dma_start3A_116 : memref<128x128xf32, #tpu.memory_space<vmem>>) offsets(%dma_start3A_119 : memref<128xi32, #tpu.memory_space<vmem>>) semaphore(%dma_start3A_124 : memref<!tpu.dma_semaphore, #tpu.memory_space<semaphore_mem>>)
      %mul3A_125 = arith.constant 128 : i32
      %mul3A_126 = arith.muli %cond3A_31, %mul3A_125 : i32
      %add3A_127 = arith.addi %mul3A_9, %mul3A_126 : i32
      %dma_start3A_128 = arith.constant 0 : i32
      %dma_start3A_129 = arith.constant 0 : i32
      %dma_start3A_130 = tpu.memref_slice %arg9[%rem3A_108, %dma_start3A_128, %dma_start3A_129] : memref<3x128x128xf32, #tpu.memory_space<vmem>> -> memref<1x128x128xf32, #tpu.memory_space<vmem>>
      %dma_start3A_131 = tpu.memref_squeeze %dma_start3A_130 : memref<1x128x128xf32, #tpu.memory_space<vmem>> -> memref<128x128xf32, #tpu.memory_space<vmem>>
      %dma_start3A_132 = arith.constant 0 : i32
      %dma_start3A_133 = tpu.memref_slice %arg2[%add3A_127, %dma_start3A_132] : memref<400000x128xf32, #tpu.memory_space<hbm>> -> memref<128x128xf32, #tpu.memory_space<hbm>>
      %dma_start3A_134 = tpu.memref_slice %arg11[%rem3A_108] : memref<3x!tpu.dma_semaphore, #tpu.memory_space<semaphore_mem>> -> memref<1x!tpu.dma_semaphore, #tpu.memory_space<semaphore_mem>>
      %dma_start3A_135 = tpu.memref_squeeze %dma_start3A_134 : memref<1x!tpu.dma_semaphore, #tpu.memory_space<semaphore_mem>> -> memref<!tpu.dma_semaphore, #tpu.memory_space<semaphore_mem>>
      %dma_start3A_136 = arith.constant 0 : i32
      %dma_start3A_137 = arith.constant 0 : i32
      %dma_start3A_138 = tpu.memref_slice %arg9[%rem3A_108, %dma_start3A_136, %dma_start3A_137] : memref<3x128x128xf32, #tpu.memory_space<vmem>> -> memref<1x128x128xf32, #tpu.memory_space<vmem>>
      %dma_start3A_139 = tpu.memref_squeeze %dma_start3A_138 : memref<1x128x128xf32, #tpu.memory_space<vmem>> -> memref<128x128xf32, #tpu.memory_space<vmem>>
      %dma_start3A_140 = arith.constant 0 : i32
      %dma_start3A_141 = tpu.memref_slice %arg2[%add3A_127, %dma_start3A_140] : memref<400000x128xf32, #tpu.memory_space<hbm>> -> memref<128x128xf32, #tpu.memory_space<hbm>>
      tpu.enqueue_dma source(%dma_start3A_141 : memref<128x128xf32, #tpu.memory_space<hbm>>) target(%dma_start3A_139 : memref<128x128xf32, #tpu.memory_space<vmem>>) target_semaphore(%dma_start3A_135 : memref<!tpu.dma_semaphore, #tpu.memory_space<semaphore_mem>>)
    } else {
    }
    %while3A = arith.constant 0 : i32
    %while3A_34 = arith.constant 0 : i32
    %while3A_35 = arith.subi %select_n3A, %while3A_34 : i32
    %while3A_36 = arith.addi %while3A_34, %while3A_35 : i32
    %while3A_37 = arith.constant 1 : i32
    %while3A_38 = arith.divsi %while3A_35, %while3A_37 : i32
    %while3A_39 = arith.muli %while3A_38, %while3A_37 : i32
    %while3A_40 = arith.addi %while3A_34, %while3A_39 : i32
    %while3A_41 = arith.constant 1 : i32
    scf.for %while3A_107 = %while3A_34 to %while3A_40 step %while3A_41  : i32 {
      %add3A_108 = arith.constant 2 : i32
      %add3A_109 = arith.addi %while3A_107, %add3A_108 : i32
      %lt3A_110 = arith.cmpi slt, %add3A_109, %select_n3A : i32
      %convert_element_type3A_111 = arith.extui %lt3A_110 : i1 to i32
      %cond3A_112 = arith.constant 0 : i32
      %cond3A_113 = arith.cmpi ne, %convert_element_type3A_111, %cond3A_112 : i32
      scf.if %cond3A_113 {
        %rem3A_118 = arith.constant 3 : i32
        %rem3A_119 = arith.remsi %add3A_109, %rem3A_118 : i32
        %ge3A_120 = arith.constant 3 : i32
        %ge3A_121 = arith.cmpi sge, %add3A_109, %ge3A_120 : i32
        %convert_element_type3A_122 = arith.extui %ge3A_121 : i1 to i32
        %cond3A_123 = arith.constant 0 : i32
        %cond3A_124 = arith.cmpi ne, %convert_element_type3A_122, %cond3A_123 : i32
        scf.if %cond3A_124 {
          %dma_wait3A_153 = arith.constant 0 : i32
          %dma_wait3A_154 = arith.constant 0 : i32
          %dma_wait3A_155 = tpu.memref_slice %arg9[%rem3A_119, %dma_wait3A_153, %dma_wait3A_154] : memref<3x128x128xf32, #tpu.memory_space<vmem>> -> memref<1x128x128xf32, #tpu.memory_space<vmem>>
          %dma_wait3A_156 = tpu.memref_squeeze %dma_wait3A_155 : memref<1x128x128xf32, #tpu.memory_space<vmem>> -> memref<128x128xf32, #tpu.memory_space<vmem>>
          %dma_wait3A_157 = arith.constant 0 : i32
          %dma_wait3A_158 = arith.constant 0 : i32
          %dma_wait3A_159 = tpu.memref_slice %arg5[%dma_wait3A_157, %dma_wait3A_158] : memref<400000x128xf32, #tpu.memory_space<hbm>> -> memref<128x128xf32, #tpu.memory_space<hbm>>
          %dma_wait3A_160 = tpu.memref_slice %arg12[%rem3A_119] : memref<3x!tpu.dma_semaphore, #tpu.memory_space<semaphore_mem>> -> memref<1x!tpu.dma_semaphore, #tpu.memory_space<semaphore_mem>>
          %dma_wait3A_161 = tpu.memref_squeeze %dma_wait3A_160 : memref<1x!tpu.dma_semaphore, #tpu.memory_space<semaphore_mem>> -> memref<!tpu.dma_semaphore, #tpu.memory_space<semaphore_mem>>
          %dma_wait3A_162 = arith.constant 0 : i32
          %dma_wait3A_163 = arith.constant 0 : i32
          %dma_wait3A_164 = tpu.memref_slice %arg5[%dma_wait3A_162, %dma_wait3A_163] : memref<400000x128xf32, #tpu.memory_space<hbm>> -> memref<128x128xf32, #tpu.memory_space<hbm>>
          %dma_wait3A_165 = arith.constant 0 : i32
          %dma_wait3A_166 = arith.constant 0 : i32
          %dma_wait3A_167 = tpu.memref_slice %arg9[%rem3A_119, %dma_wait3A_165, %dma_wait3A_166] : memref<3x128x128xf32, #tpu.memory_space<vmem>> -> memref<1x128x128xf32, #tpu.memory_space<vmem>>
          %dma_wait3A_168 = tpu.memref_squeeze %dma_wait3A_167 : memref<1x128x128xf32, #tpu.memory_space<vmem>> -> memref<128x128xf32, #tpu.memory_space<vmem>>
          tpu.wait_dma2 semaphore(%dma_wait3A_161 : memref<!tpu.dma_semaphore, #tpu.memory_space<semaphore_mem>>) src(%dma_wait3A_168 : memref<128x128xf32, #tpu.memory_space<vmem>>) dst(%dma_wait3A_164 : memref<128x128xf32, #tpu.memory_space<hbm>>)
        } else {
        }
        %dma_start3A = arith.constant 0 : i32
        %dma_start3A_125 = arith.constant 0 : i32
        %dma_start3A_126 = tpu.memref_slice %arg8[%rem3A_119, %dma_start3A, %dma_start3A_125] : memref<3x128x128xf32, #tpu.memory_space<vmem>> -> memref<1x128x128xf32, #tpu.memory_space<vmem>>
        %dma_start3A_127 = tpu.memref_squeeze %dma_start3A_126 : memref<1x128x128xf32, #tpu.memory_space<vmem>> -> memref<128x128xf32, #tpu.memory_space<vmem>>
        %dma_start3A_128 = arith.constant 0 : i32
        %dma_start3A_129 = tpu.memref_slice %arg7[%add3A_109, %dma_start3A_128] : memref<98x128xi32, #tpu.memory_space<vmem>> -> memref<1x128xi32, #tpu.memory_space<vmem>>
        %dma_start3A_130 = tpu.memref_squeeze %dma_start3A_129 : memref<1x128xi32, #tpu.memory_space<vmem>> -> memref<128xi32, #tpu.memory_space<vmem>>
        %dma_start3A_131 = arith.constant 0 : i32
        %dma_start3A_132 = arith.constant 0 : i32
        %dma_start3A_133 = tpu.memref_slice %arg4[%dma_start3A_131, %dma_start3A_132] : memref<1000x128xf32, #tpu.memory_space<hbm>> -> memref<1000x128xf32, #tpu.memory_space<hbm>>
        %dma_start3A_134 = tpu.memref_slice %arg10[%rem3A_119] : memref<3x!tpu.dma_semaphore, #tpu.memory_space<semaphore_mem>> -> memref<1x!tpu.dma_semaphore, #tpu.memory_space<semaphore_mem>>
        %dma_start3A_135 = tpu.memref_squeeze %dma_start3A_134 : memref<1x!tpu.dma_semaphore, #tpu.memory_space<semaphore_mem>> -> memref<!tpu.dma_semaphore, #tpu.memory_space<semaphore_mem>>
        tpu.enqueue_indirect_dma source(%dma_start3A_133 : memref<1000x128xf32, #tpu.memory_space<hbm>>) target(%dma_start3A_127 : memref<128x128xf32, #tpu.memory_space<vmem>>) offsets(%dma_start3A_130 : memref<128xi32, #tpu.memory_space<vmem>>) semaphore(%dma_start3A_135 : memref<!tpu.dma_semaphore, #tpu.memory_space<semaphore_mem>>)
        %mul3A_136 = arith.constant 128 : i32
        %mul3A_137 = arith.muli %add3A_109, %mul3A_136 : i32
        %add3A_138 = arith.addi %mul3A_9, %mul3A_137 : i32
        %dma_start3A_139 = arith.constant 0 : i32
        %dma_start3A_140 = arith.constant 0 : i32
        %dma_start3A_141 = tpu.memref_slice %arg9[%rem3A_119, %dma_start3A_139, %dma_start3A_140] : memref<3x128x128xf32, #tpu.memory_space<vmem>> -> memref<1x128x128xf32, #tpu.memory_space<vmem>>
        %dma_start3A_142 = tpu.memref_squeeze %dma_start3A_141 : memref<1x128x128xf32, #tpu.memory_space<vmem>> -> memref<128x128xf32, #tpu.memory_space<vmem>>
        %dma_start3A_143 = arith.constant 0 : i32
        %dma_start3A_144 = tpu.memref_slice %arg2[%add3A_138, %dma_start3A_143] : memref<400000x128xf32, #tpu.memory_space<hbm>> -> memref<128x128xf32, #tpu.memory_space<hbm>>
        %dma_start3A_145 = tpu.memref_slice %arg11[%rem3A_119] : memref<3x!tpu.dma_semaphore, #tpu.memory_space<semaphore_mem>> -> memref<1x!tpu.dma_semaphore, #tpu.memory_space<semaphore_mem>>
        %dma_start3A_146 = tpu.memref_squeeze %dma_start3A_145 : memref<1x!tpu.dma_semaphore, #tpu.memory_space<semaphore_mem>> -> memref<!tpu.dma_semaphore, #tpu.memory_space<semaphore_mem>>
        %dma_start3A_147 = arith.constant 0 : i32
        %dma_start3A_148 = arith.constant 0 : i32
        %dma_start3A_149 = tpu.memref_slice %arg9[%rem3A_119, %dma_start3A_147, %dma_start3A_148] : memref<3x128x128xf32, #tpu.memory_space<vmem>> -> memref<1x128x128xf32, #tpu.memory_space<vmem>>
        %dma_start3A_150 = tpu.memref_squeeze %dma_start3A_149 : memref<1x128x128xf32, #tpu.memory_space<vmem>> -> memref<128x128xf32, #tpu.memory_space<vmem>>
        %dma_start3A_151 = arith.constant 0 : i32
        %dma_start3A_152 = tpu.memref_slice %arg2[%add3A_138, %dma_start3A_151] : memref<400000x128xf32, #tpu.memory_space<hbm>> -> memref<128x128xf32, #tpu.memory_space<hbm>>
        tpu.enqueue_dma source(%dma_start3A_152 : memref<128x128xf32, #tpu.memory_space<hbm>>) target(%dma_start3A_150 : memref<128x128xf32, #tpu.memory_space<vmem>>) target_semaphore(%dma_start3A_146 : memref<!tpu.dma_semaphore, #tpu.memory_space<semaphore_mem>>)
      } else {
      }
      %lt3A_114 = arith.cmpi slt, %while3A_107, %select_n3A : i32
      %convert_element_type3A_115 = arith.extui %lt3A_114 : i1 to i32
      %cond3A_116 = arith.constant 0 : i32
      %cond3A_117 = arith.cmpi ne, %convert_element_type3A_115, %cond3A_116 : i32
      scf.if %cond3A_117 {
        %rem3A_118 = arith.constant 3 : i32
        %rem3A_119 = arith.remsi %while3A_107, %rem3A_118 : i32
        %dma_wait3A_120 = arith.constant 0 : i32
        %dma_wait3A_121 = arith.constant 0 : i32
        %dma_wait3A_122 = tpu.memref_slice %arg8[%rem3A_119, %dma_wait3A_120, %dma_wait3A_121] : memref<3x128x128xf32, #tpu.memory_space<vmem>> -> memref<1x128x128xf32, #tpu.memory_space<vmem>>
        %dma_wait3A_123 = tpu.memref_squeeze %dma_wait3A_122 : memref<1x128x128xf32, #tpu.memory_space<vmem>> -> memref<128x128xf32, #tpu.memory_space<vmem>>
        %dma_wait3A_124 = arith.constant 0 : i32
        %dma_wait3A_125 = arith.constant 0 : i32
        %dma_wait3A_126 = tpu.memref_slice %arg4[%dma_wait3A_124, %dma_wait3A_125] : memref<1000x128xf32, #tpu.memory_space<hbm>> -> memref<128x128xf32, #tpu.memory_space<hbm>>
        %dma_wait3A_127 = tpu.memref_slice %arg10[%rem3A_119] : memref<3x!tpu.dma_semaphore, #tpu.memory_space<semaphore_mem>> -> memref<1x!tpu.dma_semaphore, #tpu.memory_space<semaphore_mem>>
        %dma_wait3A_128 = tpu.memref_squeeze %dma_wait3A_127 : memref<1x!tpu.dma_semaphore, #tpu.memory_space<semaphore_mem>> -> memref<!tpu.dma_semaphore, #tpu.memory_space<semaphore_mem>>
        %dma_wait3A_129 = arith.constant 0 : i32
        %dma_wait3A_130 = arith.constant 0 : i32
        %dma_wait3A_131 = tpu.memref_slice %arg8[%rem3A_119, %dma_wait3A_129, %dma_wait3A_130] : memref<3x128x128xf32, #tpu.memory_space<vmem>> -> memref<1x128x128xf32, #tpu.memory_space<vmem>>
        %dma_wait3A_132 = tpu.memref_squeeze %dma_wait3A_131 : memref<1x128x128xf32, #tpu.memory_space<vmem>> -> memref<128x128xf32, #tpu.memory_space<vmem>>
        %dma_wait3A_133 = arith.constant 0 : i32
        %dma_wait3A_134 = arith.constant 0 : i32
        %dma_wait3A_135 = tpu.memref_slice %arg4[%dma_wait3A_133, %dma_wait3A_134] : memref<1000x128xf32, #tpu.memory_space<hbm>> -> memref<128x128xf32, #tpu.memory_space<hbm>>
        tpu.wait_dma2 semaphore(%dma_wait3A_128 : memref<!tpu.dma_semaphore, #tpu.memory_space<semaphore_mem>>) src(%dma_wait3A_135 : memref<128x128xf32, #tpu.memory_space<hbm>>) dst(%dma_wait3A_132 : memref<128x128xf32, #tpu.memory_space<vmem>>)
        %dma_wait3A_136 = arith.constant 0 : i32
        %dma_wait3A_137 = arith.constant 0 : i32
        %dma_wait3A_138 = tpu.memref_slice %arg9[%rem3A_119, %dma_wait3A_136, %dma_wait3A_137] : memref<3x128x128xf32, #tpu.memory_space<vmem>> -> memref<1x128x128xf32, #tpu.memory_space<vmem>>
        %dma_wait3A_139 = tpu.memref_squeeze %dma_wait3A_138 : memref<1x128x128xf32, #tpu.memory_space<vmem>> -> memref<128x128xf32, #tpu.memory_space<vmem>>
        %dma_wait3A_140 = arith.constant 0 : i32
        %dma_wait3A_141 = arith.constant 0 : i32
        %dma_wait3A_142 = tpu.memref_slice %arg2[%dma_wait3A_140, %dma_wait3A_141] : memref<400000x128xf32, #tpu.memory_space<hbm>> -> memref<128x128xf32, #tpu.memory_space<hbm>>
        %dma_wait3A_143 = tpu.memref_slice %arg11[%rem3A_119] : memref<3x!tpu.dma_semaphore, #tpu.memory_space<semaphore_mem>> -> memref<1x!tpu.dma_semaphore, #tpu.memory_space<semaphore_mem>>
        %dma_wait3A_144 = tpu.memref_squeeze %dma_wait3A_143 : memref<1x!tpu.dma_semaphore, #tpu.memory_space<semaphore_mem>> -> memref<!tpu.dma_semaphore, #tpu.memory_space<semaphore_mem>>
        %dma_wait3A_145 = arith.constant 0 : i32
        %dma_wait3A_146 = arith.constant 0 : i32
        %dma_wait3A_147 = tpu.memref_slice %arg9[%rem3A_119, %dma_wait3A_145, %dma_wait3A_146] : memref<3x128x128xf32, #tpu.memory_space<vmem>> -> memref<1x128x128xf32, #tpu.memory_space<vmem>>
        %dma_wait3A_148 = tpu.memref_squeeze %dma_wait3A_147 : memref<1x128x128xf32, #tpu.memory_space<vmem>> -> memref<128x128xf32, #tpu.memory_space<vmem>>
        %dma_wait3A_149 = arith.constant 0 : i32
        %dma_wait3A_150 = arith.constant 0 : i32
        %dma_wait3A_151 = tpu.memref_slice %arg2[%dma_wait3A_149, %dma_wait3A_150] : memref<400000x128xf32, #tpu.memory_space<hbm>> -> memref<128x128xf32, #tpu.memory_space<hbm>>
        tpu.wait_dma2 semaphore(%dma_wait3A_144 : memref<!tpu.dma_semaphore, #tpu.memory_space<semaphore_mem>>) src(%dma_wait3A_151 : memref<128x128xf32, #tpu.memory_space<hbm>>) dst(%dma_wait3A_148 : memref<128x128xf32, #tpu.memory_space<vmem>>)
        %parallel_loop3A = arith.constant 0 : i32
        %parallel_loop3A_152 = arith.constant 128 : i32
        %parallel_loop3A_153 = arith.constant 1 : i32
        scf.for %parallel_loop3A_170 = %parallel_loop3A to %parallel_loop3A_152 step %parallel_loop3A_153  : i32 {
          %parallel_loop3A_171 = arith.index_cast %rem3A_119 : i32 to index
          %parallel_loop3A_172 = arith.index_cast %parallel_loop3A_170 : i32 to index
          %parallel_loop3A_173 = arith.constant 0 : index
          %parallel_loop3A_174 = tpu.vector_load %arg8[%parallel_loop3A_171, %parallel_loop3A_172, %parallel_loop3A_173] {strides = array<i32>} : memref<3x128x128xf32, #tpu.memory_space<vmem>>, vector<1x1x16xf32>,
          %parallel_loop3A_175 = vector.shape_cast %parallel_loop3A_174 : vector<1x1x16xf32> to vector<16xf32>
          %parallel_loop3A_176 = arith.index_cast %rem3A_119 : i32 to index
          %parallel_loop3A_177 = arith.index_cast %parallel_loop3A_170 : i32 to index
          %parallel_loop3A_178 = arith.constant 0 : index
          %parallel_loop3A_179 = tpu.vector_load %arg9[%parallel_loop3A_176, %parallel_loop3A_177, %parallel_loop3A_178] {strides = array<i32>} : memref<3x128x128xf32, #tpu.memory_space<vmem>>, vector<1x1x16xf32>,
          %parallel_loop3A_180 = vector.shape_cast %parallel_loop3A_179 : vector<1x1x16xf32> to vector<16xf32>
          %parallel_loop3A_181 = vector.shape_cast %parallel_loop3A_175 : vector<16xf32> to vector<1x1x16xf32>
          tpu.vector_store %arg9[%parallel_loop3A_176, %parallel_loop3A_177, %parallel_loop3A_178], %parallel_loop3A_181 {add = true, strides = array<i32>} : memref<3x128x128xf32, #tpu.memory_space<vmem>>, vector<1x1x16xf32>,
          %parallel_loop3A_182 = arith.index_cast %rem3A_119 : i32 to index
          %parallel_loop3A_183 = arith.index_cast %parallel_loop3A_170 : i32 to index
          %parallel_loop3A_184 = arith.constant 16 : index
          %parallel_loop3A_185 = tpu.vector_load %arg8[%parallel_loop3A_182, %parallel_loop3A_183, %parallel_loop3A_184] {strides = array<i32>} : memref<3x128x128xf32, #tpu.memory_space<vmem>>, vector<1x1x16xf32>,
          %parallel_loop3A_186 = vector.shape_cast %parallel_loop3A_185 : vector<1x1x16xf32> to vector<16xf32>
          %parallel_loop3A_187 = arith.index_cast %rem3A_119 : i32 to index
          %parallel_loop3A_188 = arith.index_cast %parallel_loop3A_170 : i32 to index
          %parallel_loop3A_189 = arith.constant 16 : index
          %parallel_loop3A_190 = tpu.vector_load %arg9[%parallel_loop3A_187, %parallel_loop3A_188, %parallel_loop3A_189] {strides = array<i32>} : memref<3x128x128xf32, #tpu.memory_space<vmem>>, vector<1x1x16xf32>,
          %parallel_loop3A_191 = vector.shape_cast %parallel_loop3A_190 : vector<1x1x16xf32> to vector<16xf32>
          %parallel_loop3A_192 = vector.shape_cast %parallel_loop3A_186 : vector<16xf32> to vector<1x1x16xf32>
          tpu.vector_store %arg9[%parallel_loop3A_187, %parallel_loop3A_188, %parallel_loop3A_189], %parallel_loop3A_192 {add = true, strides = array<i32>} : memref<3x128x128xf32, #tpu.memory_space<vmem>>, vector<1x1x16xf32>,
          %parallel_loop3A_193 = arith.index_cast %rem3A_119 : i32 to index
          %parallel_loop3A_194 = arith.index_cast %parallel_loop3A_170 : i32 to index
          %parallel_loop3A_195 = arith.constant 32 : index
          %parallel_loop3A_196 = tpu.vector_load %arg8[%parallel_loop3A_193, %parallel_loop3A_194, %parallel_loop3A_195] {strides = array<i32>} : memref<3x128x128xf32, #tpu.memory_space<vmem>>, vector<1x1x16xf32>,
          %parallel_loop3A_197 = vector.shape_cast %parallel_loop3A_196 : vector<1x1x16xf32> to vector<16xf32>
          %parallel_loop3A_198 = arith.index_cast %rem3A_119 : i32 to index
          %parallel_loop3A_199 = arith.index_cast %parallel_loop3A_170 : i32 to index
          %parallel_loop3A_200 = arith.constant 32 : index
          %parallel_loop3A_201 = tpu.vector_load %arg9[%parallel_loop3A_198, %parallel_loop3A_199, %parallel_loop3A_200] {strides = array<i32>} : memref<3x128x128xf32, #tpu.memory_space<vmem>>, vector<1x1x16xf32>,
          %parallel_loop3A_202 = vector.shape_cast %parallel_loop3A_201 : vector<1x1x16xf32> to vector<16xf32>
          %parallel_loop3A_203 = vector.shape_cast %parallel_loop3A_197 : vector<16xf32> to vector<1x1x16xf32>
          tpu.vector_store %arg9[%parallel_loop3A_198, %parallel_loop3A_199, %parallel_loop3A_200], %parallel_loop3A_203 {add = true, strides = array<i32>} : memref<3x128x128xf32, #tpu.memory_space<vmem>>, vector<1x1x16xf32>,
          %parallel_loop3A_204 = arith.index_cast %rem3A_119 : i32 to index
          %parallel_loop3A_205 = arith.index_cast %parallel_loop3A_170 : i32 to index
          %parallel_loop3A_206 = arith.constant 48 : index
          %parallel_loop3A_207 = tpu.vector_load %arg8[%parallel_loop3A_204, %parallel_loop3A_205, %parallel_loop3A_206] {strides = array<i32>} : memref<3x128x128xf32, #tpu.memory_space<vmem>>, vector<1x1x16xf32>,
          %parallel_loop3A_208 = vector.shape_cast %parallel_loop3A_207 : vector<1x1x16xf32> to vector<16xf32>
          %parallel_loop3A_209 = arith.index_cast %rem3A_119 : i32 to index
          %parallel_loop3A_210 = arith.index_cast %parallel_loop3A_170 : i32 to index
          %parallel_loop3A_211 = arith.constant 48 : index
          %parallel_loop3A_212 = tpu.vector_load %arg9[%parallel_loop3A_209, %parallel_loop3A_210, %parallel_loop3A_211] {strides = array<i32>} : memref<3x128x128xf32, #tpu.memory_space<vmem>>, vector<1x1x16xf32>,
          %parallel_loop3A_213 = vector.shape_cast %parallel_loop3A_212 : vector<1x1x16xf32> to vector<16xf32>
          %parallel_loop3A_214 = vector.shape_cast %parallel_loop3A_208 : vector<16xf32> to vector<1x1x16xf32>
          tpu.vector_store %arg9[%parallel_loop3A_209, %parallel_loop3A_210, %parallel_loop3A_211], %parallel_loop3A_214 {add = true, strides = array<i32>} : memref<3x128x128xf32, #tpu.memory_space<vmem>>, vector<1x1x16xf32>,
          %parallel_loop3A_215 = arith.index_cast %rem3A_119 : i32 to index
          %parallel_loop3A_216 = arith.index_cast %parallel_loop3A_170 : i32 to index
          %parallel_loop3A_217 = arith.constant 64 : index
          %parallel_loop3A_218 = tpu.vector_load %arg8[%parallel_loop3A_215, %parallel_loop3A_216, %parallel_loop3A_217] {strides = array<i32>} : memref<3x128x128xf32, #tpu.memory_space<vmem>>, vector<1x1x16xf32>,
          %parallel_loop3A_219 = vector.shape_cast %parallel_loop3A_218 : vector<1x1x16xf32> to vector<16xf32>
          %parallel_loop3A_220 = arith.index_cast %rem3A_119 : i32 to index
          %parallel_loop3A_221 = arith.index_cast %parallel_loop3A_170 : i32 to index
          %parallel_loop3A_222 = arith.constant 64 : index
          %parallel_loop3A_223 = tpu.vector_load %arg9[%parallel_loop3A_220, %parallel_loop3A_221, %parallel_loop3A_222] {strides = array<i32>} : memref<3x128x128xf32, #tpu.memory_space<vmem>>, vector<1x1x16xf32>,
          %parallel_loop3A_224 = vector.shape_cast %parallel_loop3A_223 : vector<1x1x16xf32> to vector<16xf32>
          %parallel_loop3A_225 = vector.shape_cast %parallel_loop3A_219 : vector<16xf32> to vector<1x1x16xf32>
          tpu.vector_store %arg9[%parallel_loop3A_220, %parallel_loop3A_221, %parallel_loop3A_222], %parallel_loop3A_225 {add = true, strides = array<i32>} : memref<3x128x128xf32, #tpu.memory_space<vmem>>, vector<1x1x16xf32>,
          %parallel_loop3A_226 = arith.index_cast %rem3A_119 : i32 to index
          %parallel_loop3A_227 = arith.index_cast %parallel_loop3A_170 : i32 to index
          %parallel_loop3A_228 = arith.constant 80 : index
          %parallel_loop3A_229 = tpu.vector_load %arg8[%parallel_loop3A_226, %parallel_loop3A_227, %parallel_loop3A_228] {strides = array<i32>} : memref<3x128x128xf32, #tpu.memory_space<vmem>>, vector<1x1x16xf32>,
          %parallel_loop3A_230 = vector.shape_cast %parallel_loop3A_229 : vector<1x1x16xf32> to vector<16xf32>
          %parallel_loop3A_231 = arith.index_cast %rem3A_119 : i32 to index
          %parallel_loop3A_232 = arith.index_cast %parallel_loop3A_170 : i32 to index
          %parallel_loop3A_233 = arith.constant 80 : index
          %parallel_loop3A_234 = tpu.vector_load %arg9[%parallel_loop3A_231, %parallel_loop3A_232, %parallel_loop3A_233] {strides = array<i32>} : memref<3x128x128xf32, #tpu.memory_space<vmem>>, vector<1x1x16xf32>,
          %parallel_loop3A_235 = vector.shape_cast %parallel_loop3A_234 : vector<1x1x16xf32> to vector<16xf32>
          %parallel_loop3A_236 = vector.shape_cast %parallel_loop3A_230 : vector<16xf32> to vector<1x1x16xf32>
          tpu.vector_store %arg9[%parallel_loop3A_231, %parallel_loop3A_232, %parallel_loop3A_233], %parallel_loop3A_236 {add = true, strides = array<i32>} : memref<3x128x128xf32, #tpu.memory_space<vmem>>, vector<1x1x16xf32>,
          %parallel_loop3A_237 = arith.index_cast %rem3A_119 : i32 to index
          %parallel_loop3A_238 = arith.index_cast %parallel_loop3A_170 : i32 to index
          %parallel_loop3A_239 = arith.constant 96 : index
          %parallel_loop3A_240 = tpu.vector_load %arg8[%parallel_loop3A_237, %parallel_loop3A_238, %parallel_loop3A_239] {strides = array<i32>} : memref<3x128x128xf32, #tpu.memory_space<vmem>>, vector<1x1x16xf32>,
          %parallel_loop3A_241 = vector.shape_cast %parallel_loop3A_240 : vector<1x1x16xf32> to vector<16xf32>
          %parallel_loop3A_242 = arith.index_cast %rem3A_119 : i32 to index
          %parallel_loop3A_243 = arith.index_cast %parallel_loop3A_170 : i32 to index
          %parallel_loop3A_244 = arith.constant 96 : index
          %parallel_loop3A_245 = tpu.vector_load %arg9[%parallel_loop3A_242, %parallel_loop3A_243, %parallel_loop3A_244] {strides = array<i32>} : memref<3x128x128xf32, #tpu.memory_space<vmem>>, vector<1x1x16xf32>,
          %parallel_loop3A_246 = vector.shape_cast %parallel_loop3A_245 : vector<1x1x16xf32> to vector<16xf32>
          %parallel_loop3A_247 = vector.shape_cast %parallel_loop3A_241 : vector<16xf32> to vector<1x1x16xf32>
          tpu.vector_store %arg9[%parallel_loop3A_242, %parallel_loop3A_243, %parallel_loop3A_244], %parallel_loop3A_247 {add = true, strides = array<i32>} : memref<3x128x128xf32, #tpu.memory_space<vmem>>, vector<1x1x16xf32>,
          %parallel_loop3A_248 = arith.index_cast %rem3A_119 : i32 to index
          %parallel_loop3A_249 = arith.index_cast %parallel_loop3A_170 : i32 to index
          %parallel_loop3A_250 = arith.constant 112 : index
          %parallel_loop3A_251 = tpu.vector_load %arg8[%parallel_loop3A_248, %parallel_loop3A_249, %parallel_loop3A_250] {strides = array<i32>} : memref<3x128x128xf32, #tpu.memory_space<vmem>>, vector<1x1x16xf32>,
          %parallel_loop3A_252 = vector.shape_cast %parallel_loop3A_251 : vector<1x1x16xf32> to vector<16xf32>
          %parallel_loop3A_253 = arith.index_cast %rem3A_119 : i32 to index
          %parallel_loop3A_254 = arith.index_cast %parallel_loop3A_170 : i32 to index
          %parallel_loop3A_255 = arith.constant 112 : index
          %parallel_loop3A_256 = tpu.vector_load %arg9[%parallel_loop3A_253, %parallel_loop3A_254, %parallel_loop3A_255] {strides = array<i32>} : memref<3x128x128xf32, #tpu.memory_space<vmem>>, vector<1x1x16xf32>,
          %parallel_loop3A_257 = vector.shape_cast %parallel_loop3A_256 : vector<1x1x16xf32> to vector<16xf32>
          %parallel_loop3A_258 = vector.shape_cast %parallel_loop3A_252 : vector<16xf32> to vector<1x1x16xf32>
          tpu.vector_store %arg9[%parallel_loop3A_253, %parallel_loop3A_254, %parallel_loop3A_255], %parallel_loop3A_258 {add = true, strides = array<i32>} : memref<3x128x128xf32, #tpu.memory_space<vmem>>, vector<1x1x16xf32>,
        } {sc.loop_unroll_factor = 8 : i64, sc.parallel_access}
        %mul3A_154 = arith.constant 128 : i32
        %mul3A_155 = arith.muli %while3A_107, %mul3A_154 : i32
        %add3A_156 = arith.addi %mul3A_9, %mul3A_155 : i32
        %dma_start3A = arith.constant 0 : i32
        %dma_start3A_157 = arith.constant 0 : i32
        %dma_start3A_158 = tpu.memref_slice %arg9[%rem3A_119, %dma_start3A, %dma_start3A_157] : memref<3x128x128xf32, #tpu.memory_space<vmem>> -> memref<1x128x128xf32, #tpu.memory_space<vmem>>
        %dma_start3A_159 = tpu.memref_squeeze %dma_start3A_158 : memref<1x128x128xf32, #tpu.memory_space<vmem>> -> memref<128x128xf32, #tpu.memory_space<vmem>>
        %dma_start3A_160 = arith.constant 0 : i32
        %dma_start3A_161 = tpu.memref_slice %arg5[%add3A_156, %dma_start3A_160] : memref<400000x128xf32, #tpu.memory_space<hbm>> -> memref<128x128xf32, #tpu.memory_space<hbm>>
        %dma_start3A_162 = tpu.memref_slice %arg12[%rem3A_119] : memref<3x!tpu.dma_semaphore, #tpu.memory_space<semaphore_mem>> -> memref<1x!tpu.dma_semaphore, #tpu.memory_space<semaphore_mem>>
        %dma_start3A_163 = tpu.memref_squeeze %dma_start3A_162 : memref<1x!tpu.dma_semaphore, #tpu.memory_space<semaphore_mem>> -> memref<!tpu.dma_semaphore, #tpu.memory_space<semaphore_mem>>
        %dma_start3A_164 = arith.constant 0 : i32
        %dma_start3A_165 = tpu.memref_slice %arg5[%add3A_156, %dma_start3A_164] : memref<400000x128xf32, #tpu.memory_space<hbm>> -> memref<128x128xf32, #tpu.memory_space<hbm>>
        %dma_start3A_166 = arith.constant 0 : i32
        %dma_start3A_167 = arith.constant 0 : i32
        %dma_start3A_168 = tpu.memref_slice %arg9[%rem3A_119, %dma_start3A_166, %dma_start3A_167] : memref<3x128x128xf32, #tpu.memory_space<vmem>> -> memref<1x128x128xf32, #tpu.memory_space<vmem>>
        %dma_start3A_169 = tpu.memref_squeeze %dma_start3A_168 : memref<1x128x128xf32, #tpu.memory_space<vmem>> -> memref<128x128xf32, #tpu.memory_space<vmem>>
        tpu.enqueue_dma source(%dma_start3A_169 : memref<128x128xf32, #tpu.memory_space<vmem>>) target(%dma_start3A_165 : memref<128x128xf32, #tpu.memory_space<hbm>>) target_semaphore(%dma_start3A_163 : memref<!tpu.dma_semaphore, #tpu.memory_space<semaphore_mem>>)
      } else {
      }
    }
    %while3A_42 = arith.constant 1 : i32
    scf.for %while3A_107 = %while3A_40 to %while3A_36 step %while3A_42  : i32 {
      %add3A_108 = arith.constant 2 : i32
      %add3A_109 = arith.addi %while3A_107, %add3A_108 : i32
      %lt3A_110 = arith.cmpi slt, %add3A_109, %select_n3A : i32
      %convert_element_type3A_111 = arith.extui %lt3A_110 : i1 to i32
      %cond3A_112 = arith.constant 0 : i32
      %cond3A_113 = arith.cmpi ne, %convert_element_type3A_111, %cond3A_112 : i32
      scf.if %cond3A_113 {
        %rem3A_118 = arith.constant 3 : i32
        %rem3A_119 = arith.remsi %add3A_109, %rem3A_118 : i32
        %ge3A_120 = arith.constant 3 : i32
        %ge3A_121 = arith.cmpi sge, %add3A_109, %ge3A_120 : i32
        %convert_element_type3A_122 = arith.extui %ge3A_121 : i1 to i32
        %cond3A_123 = arith.constant 0 : i32
        %cond3A_124 = arith.cmpi ne, %convert_element_type3A_122, %cond3A_123 : i32
        scf.if %cond3A_124 {
          %dma_wait3A_153 = arith.constant 0 : i32
          %dma_wait3A_154 = arith.constant 0 : i32
          %dma_wait3A_155 = tpu.memref_slice %arg9[%rem3A_119, %dma_wait3A_153, %dma_wait3A_154] : memref<3x128x128xf32, #tpu.memory_space<vmem>> -> memref<1x128x128xf32, #tpu.memory_space<vmem>>
          %dma_wait3A_156 = tpu.memref_squeeze %dma_wait3A_155 : memref<1x128x128xf32, #tpu.memory_space<vmem>> -> memref<128x128xf32, #tpu.memory_space<vmem>>
          %dma_wait3A_157 = arith.constant 0 : i32
          %dma_wait3A_158 = arith.constant 0 : i32
          %dma_wait3A_159 = tpu.memref_slice %arg5[%dma_wait3A_157, %dma_wait3A_158] : memref<400000x128xf32, #tpu.memory_space<hbm>> -> memref<128x128xf32, #tpu.memory_space<hbm>>
          %dma_wait3A_160 = tpu.memref_slice %arg12[%rem3A_119] : memref<3x!tpu.dma_semaphore, #tpu.memory_space<semaphore_mem>> -> memref<1x!tpu.dma_semaphore, #tpu.memory_space<semaphore_mem>>
          %dma_wait3A_161 = tpu.memref_squeeze %dma_wait3A_160 : memref<1x!tpu.dma_semaphore, #tpu.memory_space<semaphore_mem>> -> memref<!tpu.dma_semaphore, #tpu.memory_space<semaphore_mem>>
          %dma_wait3A_162 = arith.constant 0 : i32
          %dma_wait3A_163 = arith.constant 0 : i32
          %dma_wait3A_164 = tpu.memref_slice %arg5[%dma_wait3A_162, %dma_wait3A_163] : memref<400000x128xf32, #tpu.memory_space<hbm>> -> memref<128x128xf32, #tpu.memory_space<hbm>>
          %dma_wait3A_165 = arith.constant 0 : i32
          %dma_wait3A_166 = arith.constant 0 : i32
          %dma_wait3A_167 = tpu.memref_slice %arg9[%rem3A_119, %dma_wait3A_165, %dma_wait3A_166] : memref<3x128x128xf32, #tpu.memory_space<vmem>> -> memref<1x128x128xf32, #tpu.memory_space<vmem>>
          %dma_wait3A_168 = tpu.memref_squeeze %dma_wait3A_167 : memref<1x128x128xf32, #tpu.memory_space<vmem>> -> memref<128x128xf32, #tpu.memory_space<vmem>>
          tpu.wait_dma2 semaphore(%dma_wait3A_161 : memref<!tpu.dma_semaphore, #tpu.memory_space<semaphore_mem>>) src(%dma_wait3A_168 : memref<128x128xf32, #tpu.memory_space<vmem>>) dst(%dma_wait3A_164 : memref<128x128xf32, #tpu.memory_space<hbm>>)
        } else {
        }
        %dma_start3A = arith.constant 0 : i32
        %dma_start3A_125 = arith.constant 0 : i32
        %dma_start3A_126 = tpu.memref_slice %arg8[%rem3A_119, %dma_start3A, %dma_start3A_125] : memref<3x128x128xf32, #tpu.memory_space<vmem>> -> memref<1x128x128xf32, #tpu.memory_space<vmem>>
        %dma_start3A_127 = tpu.memref_squeeze %dma_start3A_126 : memref<1x128x128xf32, #tpu.memory_space<vmem>> -> memref<128x128xf32, #tpu.memory_space<vmem>>
        %dma_start3A_128 = arith.constant 0 : i32
        %dma_start3A_129 = tpu.memref_slice %arg7[%add3A_109, %dma_start3A_128] : memref<98x128xi32, #tpu.memory_space<vmem>> -> memref<1x128xi32, #tpu.memory_space<vmem>>
        %dma_start3A_130 = tpu.memref_squeeze %dma_start3A_129 : memref<1x128xi32, #tpu.memory_space<vmem>> -> memref<128xi32, #tpu.memory_space<vmem>>
        %dma_start3A_131 = arith.constant 0 : i32
        %dma_start3A_132 = arith.constant 0 : i32
        %dma_start3A_133 = tpu.memref_slice %arg4[%dma_start3A_131, %dma_start3A_132] : memref<1000x128xf32, #tpu.memory_space<hbm>> -> memref<1000x128xf32, #tpu.memory_space<hbm>>
        %dma_start3A_134 = tpu.memref_slice %arg10[%rem3A_119] : memref<3x!tpu.dma_semaphore, #tpu.memory_space<semaphore_mem>> -> memref<1x!tpu.dma_semaphore, #tpu.memory_space<semaphore_mem>>
        %dma_start3A_135 = tpu.memref_squeeze %dma_start3A_134 : memref<1x!tpu.dma_semaphore, #tpu.memory_space<semaphore_mem>> -> memref<!tpu.dma_semaphore, #tpu.memory_space<semaphore_mem>>
        tpu.enqueue_indirect_dma source(%dma_start3A_133 : memref<1000x128xf32, #tpu.memory_space<hbm>>) target(%dma_start3A_127 : memref<128x128xf32, #tpu.memory_space<vmem>>) offsets(%dma_start3A_130 : memref<128xi32, #tpu.memory_space<vmem>>) semaphore(%dma_start3A_135 : memref<!tpu.dma_semaphore, #tpu.memory_space<semaphore_mem>>)
        %mul3A_136 = arith.constant 128 : i32
        %mul3A_137 = arith.muli %add3A_109, %mul3A_136 : i32
        %add3A_138 = arith.addi %mul3A_9, %mul3A_137 : i32
        %dma_start3A_139 = arith.constant 0 : i32
        %dma_start3A_140 = arith.constant 0 : i32
        %dma_start3A_141 = tpu.memref_slice %arg9[%rem3A_119, %dma_start3A_139, %dma_start3A_140] : memref<3x128x128xf32, #tpu.memory_space<vmem>> -> memref<1x128x128xf32, #tpu.memory_space<vmem>>
        %dma_start3A_142 = tpu.memref_squeeze %dma_start3A_141 : memref<1x128x128xf32, #tpu.memory_space<vmem>> -> memref<128x128xf32, #tpu.memory_space<vmem>>
        %dma_start3A_143 = arith.constant 0 : i32
        %dma_start3A_144 = tpu.memref_slice %arg2[%add3A_138, %dma_start3A_143] : memref<400000x128xf32, #tpu.memory_space<hbm>> -> memref<128x128xf32, #tpu.memory_space<hbm>>
        %dma_start3A_145 = tpu.memref_slice %arg11[%rem3A_119] : memref<3x!tpu.dma_semaphore, #tpu.memory_space<semaphore_mem>> -> memref<1x!tpu.dma_semaphore, #tpu.memory_space<semaphore_mem>>
        %dma_start3A_146 = tpu.memref_squeeze %dma_start3A_145 : memref<1x!tpu.dma_semaphore, #tpu.memory_space<semaphore_mem>> -> memref<!tpu.dma_semaphore, #tpu.memory_space<semaphore_mem>>
        %dma_start3A_147 = arith.constant 0 : i32
        %dma_start3A_148 = arith.constant 0 : i32
        %dma_start3A_149 = tpu.memref_slice %arg9[%rem3A_119, %dma_start3A_147, %dma_start3A_148] : memref<3x128x128xf32, #tpu.memory_space<vmem>> -> memref<1x128x128xf32, #tpu.memory_space<vmem>>
        %dma_start3A_150 = tpu.memref_squeeze %dma_start3A_149 : memref<1x128x128xf32, #tpu.memory_space<vmem>> -> memref<128x128xf32, #tpu.memory_space<vmem>>
        %dma_start3A_151 = arith.constant 0 : i32
        %dma_start3A_152 = tpu.memref_slice %arg2[%add3A_138, %dma_start3A_151] : memref<400000x128xf32, #tpu.memory_space<hbm>> -> memref<128x128xf32, #tpu.memory_space<hbm>>
        tpu.enqueue_dma source(%dma_start3A_152 : memref<128x128xf32, #tpu.memory_space<hbm>>) target(%dma_start3A_150 : memref<128x128xf32, #tpu.memory_space<vmem>>) target_semaphore(%dma_start3A_146 : memref<!tpu.dma_semaphore, #tpu.memory_space<semaphore_mem>>)
      } else {
      }
      %lt3A_114 = arith.cmpi slt, %while3A_107, %select_n3A : i32
      %convert_element_type3A_115 = arith.extui %lt3A_114 : i1 to i32
      %cond3A_116 = arith.constant 0 : i32
      %cond3A_117 = arith.cmpi ne, %convert_element_type3A_115, %cond3A_116 : i32
      scf.if %cond3A_117 {
        %rem3A_118 = arith.constant 3 : i32
        %rem3A_119 = arith.remsi %while3A_107, %rem3A_118 : i32
        %dma_wait3A_120 = arith.constant 0 : i32
        %dma_wait3A_121 = arith.constant 0 : i32
        %dma_wait3A_122 = tpu.memref_slice %arg8[%rem3A_119, %dma_wait3A_120, %dma_wait3A_121] : memref<3x128x128xf32, #tpu.memory_space<vmem>> -> memref<1x128x128xf32, #tpu.memory_space<vmem>>
        %dma_wait3A_123 = tpu.memref_squeeze %dma_wait3A_122 : memref<1x128x128xf32, #tpu.memory_space<vmem>> -> memref<128x128xf32, #tpu.memory_space<vmem>>
        %dma_wait3A_124 = arith.constant 0 : i32
        %dma_wait3A_125 = arith.constant 0 : i32
        %dma_wait3A_126 = tpu.memref_slice %arg4[%dma_wait3A_124, %dma_wait3A_125] : memref<1000x128xf32, #tpu.memory_space<hbm>> -> memref<128x128xf32, #tpu.memory_space<hbm>>
        %dma_wait3A_127 = tpu.memref_slice %arg10[%rem3A_119] : memref<3x!tpu.dma_semaphore, #tpu.memory_space<semaphore_mem>> -> memref<1x!tpu.dma_semaphore, #tpu.memory_space<semaphore_mem>>
        %dma_wait3A_128 = tpu.memref_squeeze %dma_wait3A_127 : memref<1x!tpu.dma_semaphore, #tpu.memory_space<semaphore_mem>> -> memref<!tpu.dma_semaphore, #tpu.memory_space<semaphore_mem>>
        %dma_wait3A_129 = arith.constant 0 : i32
        %dma_wait3A_130 = arith.constant 0 : i32
        %dma_wait3A_131 = tpu.memref_slice %arg8[%rem3A_119, %dma_wait3A_129, %dma_wait3A_130] : memref<3x128x128xf32, #tpu.memory_space<vmem>> -> memref<1x128x128xf32, #tpu.memory_space<vmem>>
        %dma_wait3A_132 = tpu.memref_squeeze %dma_wait3A_131 : memref<1x128x128xf32, #tpu.memory_space<vmem>> -> memref<128x128xf32, #tpu.memory_space<vmem>>
        %dma_wait3A_133 = arith.constant 0 : i32
        %dma_wait3A_134 = arith.constant 0 : i32
        %dma_wait3A_135 = tpu.memref_slice %arg4[%dma_wait3A_133, %dma_wait3A_134] : memref<1000x128xf32, #tpu.memory_space<hbm>> -> memref<128x128xf32, #tpu.memory_space<hbm>>
        tpu.wait_dma2 semaphore(%dma_wait3A_128 : memref<!tpu.dma_semaphore, #tpu.memory_space<semaphore_mem>>) src(%dma_wait3A_135 : memref<128x128xf32, #tpu.memory_space<hbm>>) dst(%dma_wait3A_132 : memref<128x128xf32, #tpu.memory_space<vmem>>)
        %dma_wait3A_136 = arith.constant 0 : i32
        %dma_wait3A_137 = arith.constant 0 : i32
        %dma_wait3A_138 = tpu.memref_slice %arg9[%rem3A_119, %dma_wait3A_136, %dma_wait3A_137] : memref<3x128x128xf32, #tpu.memory_space<vmem>> -> memref<1x128x128xf32, #tpu.memory_space<vmem>>
        %dma_wait3A_139 = tpu.memref_squeeze %dma_wait3A_138 : memref<1x128x128xf32, #tpu.memory_space<vmem>> -> memref<128x128xf32, #tpu.memory_space<vmem>>
        %dma_wait3A_140 = arith.constant 0 : i32
        %dma_wait3A_141 = arith.constant 0 : i32
        %dma_wait3A_142 = tpu.memref_slice %arg2[%dma_wait3A_140, %dma_wait3A_141] : memref<400000x128xf32, #tpu.memory_space<hbm>> -> memref<128x128xf32, #tpu.memory_space<hbm>>
        %dma_wait3A_143 = tpu.memref_slice %arg11[%rem3A_119] : memref<3x!tpu.dma_semaphore, #tpu.memory_space<semaphore_mem>> -> memref<1x!tpu.dma_semaphore, #tpu.memory_space<semaphore_mem>>
        %dma_wait3A_144 = tpu.memref_squeeze %dma_wait3A_143 : memref<1x!tpu.dma_semaphore, #tpu.memory_space<semaphore_mem>> -> memref<!tpu.dma_semaphore, #tpu.memory_space<semaphore_mem>>
        %dma_wait3A_145 = arith.constant 0 : i32
        %dma_wait3A_146 = arith.constant 0 : i32
        %dma_wait3A_147 = tpu.memref_slice %arg9[%rem3A_119, %dma_wait3A_145, %dma_wait3A_146] : memref<3x128x128xf32, #tpu.memory_space<vmem>> -> memref<1x128x128xf32, #tpu.memory_space<vmem>>
        %dma_wait3A_148 = tpu.memref_squeeze %dma_wait3A_147 : memref<1x128x128xf32, #tpu.memory_space<vmem>> -> memref<128x128xf32, #tpu.memory_space<vmem>>
        %dma_wait3A_149 = arith.constant 0 : i32
        %dma_wait3A_150 = arith.constant 0 : i32
        %dma_wait3A_151 = tpu.memref_slice %arg2[%dma_wait3A_149, %dma_wait3A_150] : memref<400000x128xf32, #tpu.memory_space<hbm>> -> memref<128x128xf32, #tpu.memory_space<hbm>>
        tpu.wait_dma2 semaphore(%dma_wait3A_144 : memref<!tpu.dma_semaphore, #tpu.memory_space<semaphore_mem>>) src(%dma_wait3A_151 : memref<128x128xf32, #tpu.memory_space<hbm>>) dst(%dma_wait3A_148 : memref<128x128xf32, #tpu.memory_space<vmem>>)
        %parallel_loop3A = arith.constant 0 : i32
        %parallel_loop3A_152 = arith.constant 128 : i32
        %parallel_loop3A_153 = arith.constant 1 : i32
        scf.for %parallel_loop3A_170 = %parallel_loop3A to %parallel_loop3A_152 step %parallel_loop3A_153  : i32 {
          %parallel_loop3A_171 = arith.index_cast %rem3A_119 : i32 to index
          %parallel_loop3A_172 = arith.index_cast %parallel_loop3A_170 : i32 to index
          %parallel_loop3A_173 = arith.constant 0 : index
          %parallel_loop3A_174 = tpu.vector_load %arg8[%parallel_loop3A_171, %parallel_loop3A_172, %parallel_loop3A_173] {strides = array<i32>} : memref<3x128x128xf32, #tpu.memory_space<vmem>>, vector<1x1x16xf32>,
          %parallel_loop3A_175 = vector.shape_cast %parallel_loop3A_174 : vector<1x1x16xf32> to vector<16xf32>
          %parallel_loop3A_176 = arith.index_cast %rem3A_119 : i32 to index
          %parallel_loop3A_177 = arith.index_cast %parallel_loop3A_170 : i32 to index
          %parallel_loop3A_178 = arith.constant 0 : index
          %parallel_loop3A_179 = tpu.vector_load %arg9[%parallel_loop3A_176, %parallel_loop3A_177, %parallel_loop3A_178] {strides = array<i32>} : memref<3x128x128xf32, #tpu.memory_space<vmem>>, vector<1x1x16xf32>,
          %parallel_loop3A_180 = vector.shape_cast %parallel_loop3A_179 : vector<1x1x16xf32> to vector<16xf32>
          %parallel_loop3A_181 = vector.shape_cast %parallel_loop3A_175 : vector<16xf32> to vector<1x1x16xf32>
          tpu.vector_store %arg9[%parallel_loop3A_176, %parallel_loop3A_177, %parallel_loop3A_178], %parallel_loop3A_181 {add = true, strides = array<i32>} : memref<3x128x128xf32, #tpu.memory_space<vmem>>, vector<1x1x16xf32>,
          %parallel_loop3A_182 = arith.index_cast %rem3A_119 : i32 to index
          %parallel_loop3A_183 = arith.index_cast %parallel_loop3A_170 : i32 to index
          %parallel_loop3A_184 = arith.constant 16 : index
          %parallel_loop3A_185 = tpu.vector_load %arg8[%parallel_loop3A_182, %parallel_loop3A_183, %parallel_loop3A_184] {strides = array<i32>} : memref<3x128x128xf32, #tpu.memory_space<vmem>>, vector<1x1x16xf32>,
          %parallel_loop3A_186 = vector.shape_cast %parallel_loop3A_185 : vector<1x1x16xf32> to vector<16xf32>
          %parallel_loop3A_187 = arith.index_cast %rem3A_119 : i32 to index
          %parallel_loop3A_188 = arith.index_cast %parallel_loop3A_170 : i32 to index
          %parallel_loop3A_189 = arith.constant 16 : index
          %parallel_loop3A_190 = tpu.vector_load %arg9[%parallel_loop3A_187, %parallel_loop3A_188, %parallel_loop3A_189] {strides = array<i32>} : memref<3x128x128xf32, #tpu.memory_space<vmem>>, vector<1x1x16xf32>,
          %parallel_loop3A_191 = vector.shape_cast %parallel_loop3A_190 : vector<1x1x16xf32> to vector<16xf32>
          %parallel_loop3A_192 = vector.shape_cast %parallel_loop3A_186 : vector<16xf32> to vector<1x1x16xf32>
          tpu.vector_store %arg9[%parallel_loop3A_187, %parallel_loop3A_188, %parallel_loop3A_189], %parallel_loop3A_192 {add = true, strides = array<i32>} : memref<3x128x128xf32, #tpu.memory_space<vmem>>, vector<1x1x16xf32>,
          %parallel_loop3A_193 = arith.index_cast %rem3A_119 : i32 to index
          %parallel_loop3A_194 = arith.index_cast %parallel_loop3A_170 : i32 to index
          %parallel_loop3A_195 = arith.constant 32 : index
          %parallel_loop3A_196 = tpu.vector_load %arg8[%parallel_loop3A_193, %parallel_loop3A_194, %parallel_loop3A_195] {strides = array<i32>} : memref<3x128x128xf32, #tpu.memory_space<vmem>>, vector<1x1x16xf32>,
          %parallel_loop3A_197 = vector.shape_cast %parallel_loop3A_196 : vector<1x1x16xf32> to vector<16xf32>
          %parallel_loop3A_198 = arith.index_cast %rem3A_119 : i32 to index
          %parallel_loop3A_199 = arith.index_cast %parallel_loop3A_170 : i32 to index
          %parallel_loop3A_200 = arith.constant 32 : index
          %parallel_loop3A_201 = tpu.vector_load %arg9[%parallel_loop3A_198, %parallel_loop3A_199, %parallel_loop3A_200] {strides = array<i32>} : memref<3x128x128xf32, #tpu.memory_space<vmem>>, vector<1x1x16xf32>,
          %parallel_loop3A_202 = vector.shape_cast %parallel_loop3A_201 : vector<1x1x16xf32> to vector<16xf32>
          %parallel_loop3A_203 = vector.shape_cast %parallel_loop3A_197 : vector<16xf32> to vector<1x1x16xf32>
          tpu.vector_store %arg9[%parallel_loop3A_198, %parallel_loop3A_199, %parallel_loop3A_200], %parallel_loop3A_203 {add = true, strides = array<i32>} : memref<3x128x128xf32, #tpu.memory_space<vmem>>, vector<1x1x16xf32>,
          %parallel_loop3A_204 = arith.index_cast %rem3A_119 : i32 to index
          %parallel_loop3A_205 = arith.index_cast %parallel_loop3A_170 : i32 to index
          %parallel_loop3A_206 = arith.constant 48 : index
          %parallel_loop3A_207 = tpu.vector_load %arg8[%parallel_loop3A_204, %parallel_loop3A_205, %parallel_loop3A_206] {strides = array<i32>} : memref<3x128x128xf32, #tpu.memory_space<vmem>>, vector<1x1x16xf32>,
          %parallel_loop3A_208 = vector.shape_cast %parallel_loop3A_207 : vector<1x1x16xf32> to vector<16xf32>
          %parallel_loop3A_209 = arith.index_cast %rem3A_119 : i32 to index
          %parallel_loop3A_210 = arith.index_cast %parallel_loop3A_170 : i32 to index
          %parallel_loop3A_211 = arith.constant 48 : index
          %parallel_loop3A_212 = tpu.vector_load %arg9[%parallel_loop3A_209, %parallel_loop3A_210, %parallel_loop3A_211] {strides = array<i32>} : memref<3x128x128xf32, #tpu.memory_space<vmem>>, vector<1x1x16xf32>,
          %parallel_loop3A_213 = vector.shape_cast %parallel_loop3A_212 : vector<1x1x16xf32> to vector<16xf32>
          %parallel_loop3A_214 = vector.shape_cast %parallel_loop3A_208 : vector<16xf32> to vector<1x1x16xf32>
          tpu.vector_store %arg9[%parallel_loop3A_209, %parallel_loop3A_210, %parallel_loop3A_211], %parallel_loop3A_214 {add = true, strides = array<i32>} : memref<3x128x128xf32, #tpu.memory_space<vmem>>, vector<1x1x16xf32>,
          %parallel_loop3A_215 = arith.index_cast %rem3A_119 : i32 to index
          %parallel_loop3A_216 = arith.index_cast %parallel_loop3A_170 : i32 to index
          %parallel_loop3A_217 = arith.constant 64 : index
          %parallel_loop3A_218 = tpu.vector_load %arg8[%parallel_loop3A_215, %parallel_loop3A_216, %parallel_loop3A_217] {strides = array<i32>} : memref<3x128x128xf32, #tpu.memory_space<vmem>>, vector<1x1x16xf32>,
          %parallel_loop3A_219 = vector.shape_cast %parallel_loop3A_218 : vector<1x1x16xf32> to vector<16xf32>
          %parallel_loop3A_220 = arith.index_cast %rem3A_119 : i32 to index
          %parallel_loop3A_221 = arith.index_cast %parallel_loop3A_170 : i32 to index
          %parallel_loop3A_222 = arith.constant 64 : index
          %parallel_loop3A_223 = tpu.vector_load %arg9[%parallel_loop3A_220, %parallel_loop3A_221, %parallel_loop3A_222] {strides = array<i32>} : memref<3x128x128xf32, #tpu.memory_space<vmem>>, vector<1x1x16xf32>,
          %parallel_loop3A_224 = vector.shape_cast %parallel_loop3A_223 : vector<1x1x16xf32> to vector<16xf32>
          %parallel_loop3A_225 = vector.shape_cast %parallel_loop3A_219 : vector<16xf32> to vector<1x1x16xf32>
          tpu.vector_store %arg9[%parallel_loop3A_220, %parallel_loop3A_221, %parallel_loop3A_222], %parallel_loop3A_225 {add = true, strides = array<i32>} : memref<3x128x128xf32, #tpu.memory_space<vmem>>, vector<1x1x16xf32>,
          %parallel_loop3A_226 = arith.index_cast %rem3A_119 : i32 to index
          %parallel_loop3A_227 = arith.index_cast %parallel_loop3A_170 : i32 to index
          %parallel_loop3A_228 = arith.constant 80 : index
          %parallel_loop3A_229 = tpu.vector_load %arg8[%parallel_loop3A_226, %parallel_loop3A_227, %parallel_loop3A_228] {strides = array<i32>} : memref<3x128x128xf32, #tpu.memory_space<vmem>>, vector<1x1x16xf32>,
          %parallel_loop3A_230 = vector.shape_cast %parallel_loop3A_229 : vector<1x1x16xf32> to vector<16xf32>
          %parallel_loop3A_231 = arith.index_cast %rem3A_119 : i32 to index
          %parallel_loop3A_232 = arith.index_cast %parallel_loop3A_170 : i32 to index
          %parallel_loop3A_233 = arith.constant 80 : index
          %parallel_loop3A_234 = tpu.vector_load %arg9[%parallel_loop3A_231, %parallel_loop3A_232, %parallel_loop3A_233] {strides = array<i32>} : memref<3x128x128xf32, #tpu.memory_space<vmem>>, vector<1x1x16xf32>,
          %parallel_loop3A_235 = vector.shape_cast %parallel_loop3A_234 : vector<1x1x16xf32> to vector<16xf32>
          %parallel_loop3A_236 = vector.shape_cast %parallel_loop3A_230 : vector<16xf32> to vector<1x1x16xf32>
          tpu.vector_store %arg9[%parallel_loop3A_231, %parallel_loop3A_232, %parallel_loop3A_233], %parallel_loop3A_236 {add = true, strides = array<i32>} : memref<3x128x128xf32, #tpu.memory_space<vmem>>, vector<1x1x16xf32>,
          %parallel_loop3A_237 = arith.index_cast %rem3A_119 : i32 to index
          %parallel_loop3A_238 = arith.index_cast %parallel_loop3A_170 : i32 to index
          %parallel_loop3A_239 = arith.constant 96 : index
          %parallel_loop3A_240 = tpu.vector_load %arg8[%parallel_loop3A_237, %parallel_loop3A_238, %parallel_loop3A_239] {strides = array<i32>} : memref<3x128x128xf32, #tpu.memory_space<vmem>>, vector<1x1x16xf32>,
          %parallel_loop3A_241 = vector.shape_cast %parallel_loop3A_240 : vector<1x1x16xf32> to vector<16xf32>
          %parallel_loop3A_242 = arith.index_cast %rem3A_119 : i32 to index
          %parallel_loop3A_243 = arith.index_cast %parallel_loop3A_170 : i32 to index
          %parallel_loop3A_244 = arith.constant 96 : index
          %parallel_loop3A_245 = tpu.vector_load %arg9[%parallel_loop3A_242, %parallel_loop3A_243, %parallel_loop3A_244] {strides = array<i32>} : memref<3x128x128xf32, #tpu.memory_space<vmem>>, vector<1x1x16xf32>,
          %parallel_loop3A_246 = vector.shape_cast %parallel_loop3A_245 : vector<1x1x16xf32> to vector<16xf32>
          %parallel_loop3A_247 = vector.shape_cast %parallel_loop3A_241 : vector<16xf32> to vector<1x1x16xf32>
          tpu.vector_store %arg9[%parallel_loop3A_242, %parallel_loop3A_243, %parallel_loop3A_244], %parallel_loop3A_247 {add = true, strides = array<i32>} : memref<3x128x128xf32, #tpu.memory_space<vmem>>, vector<1x1x16xf32>,
          %parallel_loop3A_248 = arith.index_cast %rem3A_119 : i32 to index
          %parallel_loop3A_249 = arith.index_cast %parallel_loop3A_170 : i32 to index
          %parallel_loop3A_250 = arith.constant 112 : index
          %parallel_loop3A_251 = tpu.vector_load %arg8[%parallel_loop3A_248, %parallel_loop3A_249, %parallel_loop3A_250] {strides = array<i32>} : memref<3x128x128xf32, #tpu.memory_space<vmem>>, vector<1x1x16xf32>,
          %parallel_loop3A_252 = vector.shape_cast %parallel_loop3A_251 : vector<1x1x16xf32> to vector<16xf32>
          %parallel_loop3A_253 = arith.index_cast %rem3A_119 : i32 to index
          %parallel_loop3A_254 = arith.index_cast %parallel_loop3A_170 : i32 to index
          %parallel_loop3A_255 = arith.constant 112 : index
          %parallel_loop3A_256 = tpu.vector_load %arg9[%parallel_loop3A_253, %parallel_loop3A_254, %parallel_loop3A_255] {strides = array<i32>} : memref<3x128x128xf32, #tpu.memory_space<vmem>>, vector<1x1x16xf32>,
          %parallel_loop3A_257 = vector.shape_cast %parallel_loop3A_256 : vector<1x1x16xf32> to vector<16xf32>
          %parallel_loop3A_258 = vector.shape_cast %parallel_loop3A_252 : vector<16xf32> to vector<1x1x16xf32>
          tpu.vector_store %arg9[%parallel_loop3A_253, %parallel_loop3A_254, %parallel_loop3A_255], %parallel_loop3A_258 {add = true, strides = array<i32>} : memref<3x128x128xf32, #tpu.memory_space<vmem>>, vector<1x1x16xf32>,
        } {sc.loop_unroll_factor = 8 : i64, sc.parallel_access}
        %mul3A_154 = arith.constant 128 : i32
        %mul3A_155 = arith.muli %while3A_107, %mul3A_154 : i32
        %add3A_156 = arith.addi %mul3A_9, %mul3A_155 : i32
        %dma_start3A = arith.constant 0 : i32
        %dma_start3A_157 = arith.constant 0 : i32
        %dma_start3A_158 = tpu.memref_slice %arg9[%rem3A_119, %dma_start3A, %dma_start3A_157] : memref<3x128x128xf32, #tpu.memory_space<vmem>> -> memref<1x128x128xf32, #tpu.memory_space<vmem>>
        %dma_start3A_159 = tpu.memref_squeeze %dma_start3A_158 : memref<1x128x128xf32, #tpu.memory_space<vmem>> -> memref<128x128xf32, #tpu.memory_space<vmem>>
        %dma_start3A_160 = arith.constant 0 : i32
        %dma_start3A_161 = tpu.memref_slice %arg5[%add3A_156, %dma_start3A_160] : memref<400000x128xf32, #tpu.memory_space<hbm>> -> memref<128x128xf32, #tpu.memory_space<hbm>>
        %dma_start3A_162 = tpu.memref_slice %arg12[%rem3A_119] : memref<3x!tpu.dma_semaphore, #tpu.memory_space<semaphore_mem>> -> memref<1x!tpu.dma_semaphore, #tpu.memory_space<semaphore_mem>>
        %dma_start3A_163 = tpu.memref_squeeze %dma_start3A_162 : memref<1x!tpu.dma_semaphore, #tpu.memory_space<semaphore_mem>> -> memref<!tpu.dma_semaphore, #tpu.memory_space<semaphore_mem>>
        %dma_start3A_164 = arith.constant 0 : i32
        %dma_start3A_165 = tpu.memref_slice %arg5[%add3A_156, %dma_start3A_164] : memref<400000x128xf32, #tpu.memory_space<hbm>> -> memref<128x128xf32, #tpu.memory_space<hbm>>
        %dma_start3A_166 = arith.constant 0 : i32
        %dma_start3A_167 = arith.constant 0 : i32
        %dma_start3A_168 = tpu.memref_slice %arg9[%rem3A_119, %dma_start3A_166, %dma_start3A_167] : memref<3x128x128xf32, #tpu.memory_space<vmem>> -> memref<1x128x128xf32, #tpu.memory_space<vmem>>
        %dma_start3A_169 = tpu.memref_squeeze %dma_start3A_168 : memref<1x128x128xf32, #tpu.memory_space<vmem>> -> memref<128x128xf32, #tpu.memory_space<vmem>>
        tpu.enqueue_dma source(%dma_start3A_169 : memref<128x128xf32, #tpu.memory_space<vmem>>) target(%dma_start3A_165 : memref<128x128xf32, #tpu.memory_space<hbm>>) target_semaphore(%dma_start3A_163 : memref<!tpu.dma_semaphore, #tpu.memory_space<semaphore_mem>>)
      } else {
      }
    }
    %sub3A_43 = arith.constant 3 : i32
    %sub3A_44 = arith.subi %select_n3A, %sub3A_43 : i32
    %add3A_45 = arith.constant 0 : i32
    %add3A_46 = arith.addi %sub3A_44, %add3A_45 : i32
    %rem3A = arith.constant 3 : i32
    %rem3A_47 = arith.remsi %add3A_46, %rem3A : i32
    %dma_wait3A = arith.constant 0 : i32
    %dma_wait3A_48 = arith.constant 0 : i32
    %dma_wait3A_49 = tpu.memref_slice %arg9[%rem3A_47, %dma_wait3A, %dma_wait3A_48] : memref<3x128x128xf32, #tpu.memory_space<vmem>> -> memref<1x128x128xf32, #tpu.memory_space<vmem>>
    %dma_wait3A_50 = tpu.memref_squeeze %dma_wait3A_49 : memref<1x128x128xf32, #tpu.memory_space<vmem>> -> memref<128x128xf32, #tpu.memory_space<vmem>>
    %dma_wait3A_51 = arith.constant 0 : i32
    %dma_wait3A_52 = arith.constant 0 : i32
    %dma_wait3A_53 = tpu.memref_slice %arg5[%dma_wait3A_51, %dma_wait3A_52] : memref<400000x128xf32, #tpu.memory_space<hbm>> -> memref<128x128xf32, #tpu.memory_space<hbm>>
    %dma_wait3A_54 = tpu.memref_slice %arg12[%rem3A_47] : memref<3x!tpu.dma_semaphore, #tpu.memory_space<semaphore_mem>> -> memref<1x!tpu.dma_semaphore, #tpu.memory_space<semaphore_mem>>
    %dma_wait3A_55 = tpu.memref_squeeze %dma_wait3A_54 : memref<1x!tpu.dma_semaphore, #tpu.memory_space<semaphore_mem>> -> memref<!tpu.dma_semaphore, #tpu.memory_space<semaphore_mem>>
    %dma_wait3A_56 = arith.constant 0 : i32
    %dma_wait3A_57 = arith.constant 0 : i32
    %dma_wait3A_58 = tpu.memref_slice %arg5[%dma_wait3A_56, %dma_wait3A_57] : memref<400000x128xf32, #tpu.memory_space<hbm>> -> memref<128x128xf32, #tpu.memory_space<hbm>>
    %dma_wait3A_59 = arith.constant 0 : i32
    %dma_wait3A_60 = arith.constant 0 : i32
    %dma_wait3A_61 = tpu.memref_slice %arg9[%rem3A_47, %dma_wait3A_59, %dma_wait3A_60] : memref<3x128x128xf32, #tpu.memory_space<vmem>> -> memref<1x128x128xf32, #tpu.memory_space<vmem>>
    %dma_wait3A_62 = tpu.memref_squeeze %dma_wait3A_61 : memref<1x128x128xf32, #tpu.memory_space<vmem>> -> memref<128x128xf32, #tpu.memory_space<vmem>>
    tpu.wait_dma2 semaphore(%dma_wait3A_55 : memref<!tpu.dma_semaphore, #tpu.memory_space<semaphore_mem>>) src(%dma_wait3A_62 : memref<128x128xf32, #tpu.memory_space<vmem>>) dst(%dma_wait3A_58 : memref<128x128xf32, #tpu.memory_space<hbm>>)
    %sub3A_63 = arith.constant 3 : i32
    %sub3A_64 = arith.subi %select_n3A, %sub3A_63 : i32
    %add3A_65 = arith.constant 1 : i32
    %add3A_66 = arith.addi %sub3A_64, %add3A_65 : i32
    %rem3A_67 = arith.constant 3 : i32
    %rem3A_68 = arith.remsi %add3A_66, %rem3A_67 : i32
    %dma_wait3A_69 = arith.constant 0 : i32
    %dma_wait3A_70 = arith.constant 0 : i32
    %dma_wait3A_71 = tpu.memref_slice %arg9[%rem3A_68, %dma_wait3A_69, %dma_wait3A_70] : memref<3x128x128xf32, #tpu.memory_space<vmem>> -> memref<1x128x128xf32, #tpu.memory_space<vmem>>
    %dma_wait3A_72 = tpu.memref_squeeze %dma_wait3A_71 : memref<1x128x128xf32, #tpu.memory_space<vmem>> -> memref<128x128xf32, #tpu.memory_space<vmem>>
    %dma_wait3A_73 = arith.constant 0 : i32
    %dma_wait3A_74 = arith.constant 0 : i32
    %dma_wait3A_75 = tpu.memref_slice %arg5[%dma_wait3A_73, %dma_wait3A_74] : memref<400000x128xf32, #tpu.memory_space<hbm>> -> memref<128x128xf32, #tpu.memory_space<hbm>>
    %dma_wait3A_76 = tpu.memref_slice %arg12[%rem3A_68] : memref<3x!tpu.dma_semaphore, #tpu.memory_space<semaphore_mem>> -> memref<1x!tpu.dma_semaphore, #tpu.memory_space<semaphore_mem>>
    %dma_wait3A_77 = tpu.memref_squeeze %dma_wait3A_76 : memref<1x!tpu.dma_semaphore, #tpu.memory_space<semaphore_mem>> -> memref<!tpu.dma_semaphore, #tpu.memory_space<semaphore_mem>>
    %dma_wait3A_78 = arith.constant 0 : i32
    %dma_wait3A_79 = arith.constant 0 : i32
    %dma_wait3A_80 = tpu.memref_slice %arg5[%dma_wait3A_78, %dma_wait3A_79] : memref<400000x128xf32, #tpu.memory_space<hbm>> -> memref<128x128xf32, #tpu.memory_space<hbm>>
    %dma_wait3A_81 = arith.constant 0 : i32
    %dma_wait3A_82 = arith.constant 0 : i32
    %dma_wait3A_83 = tpu.memref_slice %arg9[%rem3A_68, %dma_wait3A_81, %dma_wait3A_82] : memref<3x128x128xf32, #tpu.memory_space<vmem>> -> memref<1x128x128xf32, #tpu.memory_space<vmem>>
    %dma_wait3A_84 = tpu.memref_squeeze %dma_wait3A_83 : memref<1x128x128xf32, #tpu.memory_space<vmem>> -> memref<128x128xf32, #tpu.memory_space<vmem>>
    tpu.wait_dma2 semaphore(%dma_wait3A_77 : memref<!tpu.dma_semaphore, #tpu.memory_space<semaphore_mem>>) src(%dma_wait3A_84 : memref<128x128xf32, #tpu.memory_space<vmem>>) dst(%dma_wait3A_80 : memref<128x128xf32, #tpu.memory_space<hbm>>)
    %sub3A_85 = arith.constant 3 : i32
    %sub3A_86 = arith.subi %select_n3A, %sub3A_85 : i32
    %add3A_87 = arith.constant 2 : i32
    %add3A_88 = arith.addi %sub3A_86, %add3A_87 : i32
    %rem3A_89 = arith.constant 3 : i32
    %rem3A_90 = arith.remsi %add3A_88, %rem3A_89 : i32
    %dma_wait3A_91 = arith.constant 0 : i32
    %dma_wait3A_92 = arith.constant 0 : i32
    %dma_wait3A_93 = tpu.memref_slice %arg9[%rem3A_90, %dma_wait3A_91, %dma_wait3A_92] : memref<3x128x128xf32, #tpu.memory_space<vmem>> -> memref<1x128x128xf32, #tpu.memory_space<vmem>>
    %dma_wait3A_94 = tpu.memref_squeeze %dma_wait3A_93 : memref<1x128x128xf32, #tpu.memory_space<vmem>> -> memref<128x128xf32, #tpu.memory_space<vmem>>
    %dma_wait3A_95 = arith.constant 0 : i32
    %dma_wait3A_96 = arith.constant 0 : i32
    %dma_wait3A_97 = tpu.memref_slice %arg5[%dma_wait3A_95, %dma_wait3A_96] : memref<400000x128xf32, #tpu.memory_space<hbm>> -> memref<128x128xf32, #tpu.memory_space<hbm>>
    %dma_wait3A_98 = tpu.memref_slice %arg12[%rem3A_90] : memref<3x!tpu.dma_semaphore, #tpu.memory_space<semaphore_mem>> -> memref<1x!tpu.dma_semaphore, #tpu.memory_space<semaphore_mem>>
    %dma_wait3A_99 = tpu.memref_squeeze %dma_wait3A_98 : memref<1x!tpu.dma_semaphore, #tpu.memory_space<semaphore_mem>> -> memref<!tpu.dma_semaphore, #tpu.memory_space<semaphore_mem>>
    %dma_wait3A_100 = arith.constant 0 : i32
    %dma_wait3A_101 = arith.constant 0 : i32
    %dma_wait3A_102 = tpu.memref_slice %arg5[%dma_wait3A_100, %dma_wait3A_101] : memref<400000x128xf32, #tpu.memory_space<hbm>> -> memref<128x128xf32, #tpu.memory_space<hbm>>
    %dma_wait3A_103 = arith.constant 0 : i32
    %dma_wait3A_104 = arith.constant 0 : i32
    %dma_wait3A_105 = tpu.memref_slice %arg9[%rem3A_90, %dma_wait3A_103, %dma_wait3A_104] : memref<3x128x128xf32, #tpu.memory_space<vmem>> -> memref<1x128x128xf32, #tpu.memory_space<vmem>>
    %dma_wait3A_106 = tpu.memref_squeeze %dma_wait3A_105 : memref<1x128x128xf32, #tpu.memory_space<vmem>> -> memref<128x128xf32, #tpu.memory_space<vmem>>
    tpu.wait_dma2 semaphore(%dma_wait3A_99 : memref<!tpu.dma_semaphore, #tpu.memory_space<semaphore_mem>>) src(%dma_wait3A_106 : memref<128x128xf32, #tpu.memory_space<vmem>>) dst(%dma_wait3A_102 : memref<128x128xf32, #tpu.memory_space<hbm>>)
    return
  }
}

</mosaic_0001>

<sc_bundles>
// kernel: kernel.3.cloned.1.call-start
scs
__scs_entry_jumppad:
0x0: {  	(pc) =	sbr.rel $0x88, $3  }
0x1: {  	(tag) =	ssettag $0x0;
	lr =	simm.s32 $0x1  }
0x2: {  	[smem:$0x3F9E] =	sst lr;
	_ =	strace $0xD0000000  }
0x3: {  	_ = 	snop  }
0x4: {  	_ = 	snop  }
0x5: {  	_ = 	snop  }
0x6: {  	_ = 	snop  }
0x7: {  	_ = 	snop  }
__scs_overlays_trampoline_lowered:
0x8: {  	[smem:$0x3FAD] =	sst s0  }
0x9: {  	[smem:$0x3FAE] =	sst s1  }
0xa: {  	[smem:$0x3FAF] =	sst s2  }
0xb: {  	[smem:$0x3FB0] =	sst s3  }
0xc: {  	[smem:$0x3FB1] =	sst s4  }
0xd: {  	[smem:$0x3FB2] =	sst s5  }
0xe: {  	[smem:$0x3FB3] =	sst s6  }
0xf: {  	[smem:$0x3FB4] =	sst s7  }
0x10: {  	[smem:$0x3FB5] =	sst s8  }
0x11: {  	[smem:$0x3FB6] =	sst s9;
	s0 =	simm.s32 @!p0 $0x0  }
0x12: {  	s1 =	sld [smem:$0x3F9C];
	s0 =	simm.s32 @p0 $0x1  }
0x13: {  	[smem:$0x3FB7] =	sst s0;
	s0 =	simm.s32 @!p1 $0x0  }
0x14: {  	s2 =	sld [smem:$0x3F9B];
	s0 =	simm.s32 @p1 $0x1  }
0x15: {  	[smem:$0x3FB8] =	sst s0;
	s0 =	simm.s32 @!p2 $0x0  }
0x16: {  	s3 =	sld [smem:$0x3FDB];
	s0 =	simm.s32 @p2 $0x1  }
0x17: {  	s4 =	simm.s32 $0x1BF5;
	[smem:$0x3FBA] =	sst s0  }
0x18: {  	s0 =	sld [smem:$0x3F9D];
	_ =	swait.ge [sflag:s4], $0x0  }
0x19: {  	s7 =	sld [smem:$0x3F9E]  }
0x1a: {  	s8 =	sadd.s32 $0xFFFFE003, lr  }
0x1b: {  	s9 =	sadd.s32 $0xFFFFFEF7, lr;
	s5 =	simm.s32 $0xFFFFFFFF;
	p2 =	slt.u32 s8, $0xFFFFF086  }
0x1c: {  	p1 =	slt.u32 s9, $0xF7A;
	s5 =	simm.s32 @!p2 $0x0  }
0x1d: {  	s5 =	simm.s32 @p1 $0x1;
	p0 =	seq.s32 s7, s2  }
0x1e: {  	s7 =	smul.u32 @!p0 $0xF7A, s2;
	p2 =	seq.s32 @!p0 s5, $0x0  }
0x1f: {  	s9 =	smul.u32 $0xF7A, s1;
	s8 =	simm.s32 @!p0 $0x1BF5;
	p2 =	por !p2, p0  }
0x20: {  	[sflag:s8] =	ssyncset.s32 @!p0 $0xFFFFF086;
	s6 =	sadd.s32 @!p0 s3, s7;
	s7 =	simm.s32 @!p0 $0x108  }
0x21: {  	s3 =	sadd.s32 s3, s9;
	s6 =	sadd.s32 @!p0 $0x88, s6;
	s7 =	simm.s32 @p2 $0x1082  }
0x22: {  	[simem:s7], [sflag:s8] =	dma.local @!p0 [hbm:s6], $0xF7A  }
0x23: {  	s9 =	sor.u32 $0xD0000000, s2;
	s6 =	simm.s32 $0x108;
	_ =	swait.ge @!p0 [sflag:s8], $0x0  }
0x24: {  	s3 =	sadd.s32 $0x88, s3;
	s6 =	simm.s32 @!p1 $0x1082;
	[sflag:s4] =	ssyncset.s32 $0xFFFFF086  }
0x25: {  	[simem:s6], [sflag:s4] =	dma.local [hbm:s3], $0xF7A  }
0x26: {  	[smem:$0x3F9E] =	sst s1;
	(tag) =	ssettag s2;
	_ =	strace s9  }
0x27: {  	s1 =	sld [smem:$0x3FAE]  }
0x28: {  	s2 =	sld [smem:$0x3FAF]  }
0x29: {  	s4 =	sld [smem:$0x3FB1]  }
0x2a: {  	p0 =	seq.s32 s5, $0x0;
	s5 =	sld [smem:$0x3FB2]  }
0x2b: {  	s6 =	sld [smem:$0x3FB3]  }
0x2c: {  	s7 =	sld [smem:$0x3FB4]  }
0x2d: {  	s3 =	simm.s32 $0x108;
	s8 =	sld [smem:$0x3FB5]  }
0x2e: {  	s3 =	simm.s32 @!p0 $0x1082;
	s9 =	sld [smem:$0x3FB6]  }
0x2f: {  	lr =	sadd.s32 s0, s3;
	s0 =	sld [smem:$0x3FAD]  }
0x30: {  	s3 =	sld [smem:$0x3FB0]  }
0x31: {  	[smem:$0x3FB9] =	sst s10  }
0x32: {  	s10 =	sld [smem:$0x3FB7];
	_ =	sdelay $0x3  }
0x33: {  	p0 =	seq.s32 s10, $0x1;
	s10 =	sld [smem:$0x3FB9];
	_ =	sdelay $0x3  }
0x34: {  	[smem:$0x3FB9] =	sst s10  }
0x35: {  	s10 =	sld [smem:$0x3FB8];
	_ =	sdelay $0x3  }
0x36: {  	p1 =	seq.s32 s10, $0x1;
	s10 =	sld [smem:$0x3FB9];
	_ =	sdelay $0x3  }
0x37: {  	[smem:$0x3FB9] =	sst s10  }
0x38: {  	s10 =	sld [smem:$0x3FBA]  }
0x39: {  	_ = 	snop;
	(pc) =	sbr.ind lr, $3  }
0x3a: {  	_ = 	snop  }
0x3b: {  	_ = 	snop  }
0x3c: {  	p2 =	seq.s32 s10, $0x1;
	s10 =	sld [smem:$0x3FB9]  }
0x3d: {  	_ =	shalt  }
0x3e: {  	_ =	shalt  }
0x3f: {  	_ =	shalt  }
0x40: {  	_ =	shalt  }
0x41: {  	_ =	shalt  }
0x42: {  	_ =	shalt  }
0x43: {  	_ =	shalt  }
0x44: {  	_ =	shalt  }
0x45: {  	_ =	shalt  }
0x46: {  	_ =	shalt  }
0x47: {  	_ =	shalt  }
0x48: {  	_ =	shalt  }
0x49: {  	_ =	shalt  }
0x4a: {  	_ =	shalt  }
0x4b: {  	_ =	shalt  }
0x4c: {  	_ =	shalt  }
0x4d: {  	_ =	shalt  }
0x4e: {  	_ =	shalt  }
0x4f: {  	_ =	shalt  }
0x50: {  	_ =	shalt  }
0x51: {  	_ =	shalt  }
0x52: {  	_ =	shalt  }
0x53: {  	_ =	shalt  }
0x54: {  	_ =	shalt  }
0x55: {  	_ =	shalt  }
0x56: {  	_ =	shalt  }
0x57: {  	_ =	shalt  }
0x58: {  	_ =	shalt  }
0x59: {  	_ =	shalt  }
0x5a: {  	_ =	shalt  }
0x5b: {  	_ =	shalt  }
0x5c: {  	_ =	shalt  }
0x5d: {  	_ =	shalt  }
0x5e: {  	_ =	shalt  }
0x5f: {  	_ =	shalt  }
0x60: {  	_ =	shalt  }
0x61: {  	_ =	shalt  }
0x62: {  	_ =	shalt  }
0x63: {  	_ =	shalt  }
0x64: {  	_ =	shalt  }
0x65: {  	_ =	shalt  }
0x66: {  	_ =	shalt  }
0x67: {  	_ =	shalt  }
0x68: {  	_ =	shalt  }
0x69: {  	_ =	shalt  }
0x6a: {  	_ =	shalt  }
0x6b: {  	_ =	shalt  }
0x6c: {  	_ =	shalt  }
0x6d: {  	_ =	shalt  }
0x6e: {  	_ =	shalt  }
0x6f: {  	_ =	shalt  }
0x70: {  	_ =	shalt  }
0x71: {  	_ =	shalt  }
0x72: {  	_ =	shalt  }
0x73: {  	_ =	shalt  }
0x74: {  	_ =	shalt  }
0x75: {  	_ =	shalt  }
0x76: {  	_ =	shalt  }
0x77: {  	_ =	shalt  }
0x78: {  	_ =	shalt  }
0x79: {  	_ =	shalt  }
0x7a: {  	_ =	shalt  }
0x7b: {  	_ =	shalt  }
0x7c: {  	_ =	shalt  }
0x7d: {  	_ =	shalt  }
0x7e: {  	_ =	shalt  }
0x7f: {  	_ =	shalt  }
0x80: {  	_ =	shalt  }
0x81: {  	_ =	shalt  }
0x82: {  	_ =	shalt  }
0x83: {  	_ =	shalt  }
0x84: {  	_ =	shalt  }
0x85: {  	_ =	shalt  }
0x86: {  	_ =	shalt  }
0x87: {  	_ =	shalt  }
.Lfunc_end0:
.L_simem_size_0:
called_computation_lowered:
.L_overlay_start_0:
0x88: {  	s2 =	sld [smem:$0x3FD9]  }
0x89: {  	s3 =	sld [smem:$0x3FFE];
	_ =	sdelay $0x1  }
0x8a: {  	s1 =	srdreg.scid  }
0x8b: {  	s0 =	sand.u32 $0x1, s1  }
0x8c: {  	s17 =	sshll.u32 s0, $0xA;
	s2 =	sadd.s32 s3, s2  }
0x8d: {  	s2 =	sadd.s32 s2, s17  }
0x8e: {  	[smem:$0x3FC5] =	sst s2  }
0x8f: {  	_ = 	snop  }
0x90: {  	s2 =	sld [smem:$0x3FC9]  }
0x91: {  	s18 =	sld [smem:$0x3FC7]  }
0x92: {  	s4 =	sld [smem:$0x3FD0];
	(tm) =	ssettm $0x1  }
0x93: {  	s5 =	sld [smem:$0x3FFB];
	_ =	sdelay $0x3  }
0x94: {  	_ =	strace s5  }
0x95: {  	s5 =	sld [smem:$0x3FFC];
	_ =	sdelay $0x3  }
0x96: {  	_ =	strace s5  }
0x97: {  	s5 =	sld [smem:$0x3FFD];
	_ =	sdelay $0x3  }
0x98: {  	_ =	strace s5  }
0x99: {  	_ =	strace $0x8FFFFFFF  }
0x9a: {  	s19 =	sld [smem:$0x3FDB];
	_ =	sdelay $0x1  }
0x9b: {  	s6 =	simm.s32 $_scs_section_size  }
0x9c: {  	s7 =	simm.s32 $_size__tile_overlayer_lowered;
	s8 =	simm.s32 $_tile_overlayer_lowered  }
0x9d: {  	s22 =	simm.s32 $0x1BFF;
	s21 =	sshll.u32 s8, $0x1;
	s5 =	sadd.s32 s6, s19  }
0x9e: {  	s9 =	simm.s32 $0x0;
	s20 =	sshll.u32 s7, $0x1;
	s7 =	sadd.s32 s21, s5  }
0x9f: {  	[timem:s9], [sflag:s22] =	dma.local [hbm:s7], s20  }
0xa0: {  	_ =	swait.ge [sflag:s22], s20  }
0xa1: {  	s6 =	ssub.s32 $0x0, s20;
	[sflag:s22] =	ssyncset.done $0x0  }
0xa2: {  	[sflag:s22] =	ssyncadd.s32 s6;
	_ =	sdelay $0x1  }
0xa3: {  	s23 =	simm.s32 $0x1B8B  }
0xa4: {  	_ =	swait.ge [sflag:s23], $0x1  }
0xa5: {  	[sflag:s23] =	ssyncset.done $0x0  }
0xa6: {  	s25 =	simm.s32 $0x1B8E;
	s24 =	sld [smem:$0x3FFE];
	[sflag:s23] =	ssyncadd.s32 $0xFFFFFFFF  }
0xa7: {  	s26 =	simm.s32 $execute0_lowered;
	[smem:$0x3FD2] =	sst s25  }
0xa8: {  	s7 =	sshll.u32 s26, $0x1;
	_ =	strace $0x80000046;
	[dreg:$0x1] =	wrdreg $0xFFFFFFFF  }
0xa9: {  	s28 =	simm.s32 $_size_execute0_lowered;
	s5 =	sadd.s32 s5, s7;
	[dreg:$0x0] =	wrdreg $0x0  }
0xaa: {  	s7 =	sshll.u32 s28, $0x1;
	[dreg:$0x2] =	wrdreg s5  }
0xab: {  	[dreg:$0x3] =	wrdreg s7  }
0xac: {  	[dreg:$0x4] =	wrdreg $0xC0  }
0xad: {  	_ =	task [dreg:s9], $0x5FFFF  }
0xae: {  	[dreg:$0x1] =	wrdreg $0xFFFFFFFF  }
0xaf: {  	[dreg:$0x0] =	wrdreg $0x60  }
0xb0: {  	[dreg:$0x2] =	wrdreg s2  }
0xb1: {  	[dreg:$0x3] =	wrdreg s24  }
0xb2: {  	[dreg:$0x4] =	wrdreg s18  }
0xb3: {  	[dreg:$0x5] =	wrdreg s4  }
0xb4: {  	[dreg:$0x6] =	wrdreg $0x9  }
0xb5: {  	_ =	task.clear_ibuf [dreg:s9], $0x7FFFF;
	_ =	strace $0x90000046  }
0xb6: {  	s29 =	simm.s32 $0x9;
	_ =	strace $0x80000048  }
0xb7: {  	_ =	swait.ge [sflag:s29], $0x1  }
0xb8: {  	[sflag:s29] =	ssyncadd.s32 $0xFFFFFFFF  }
0xb9: {  	_ =	strace $0x90000048  }
0xba: {  	_ =	sfence  }
0xbb: {  	s30 =	sld [smem:$0x0];
	_ =	sdelay $0x2  }
0xbc: {  	s31 =	sshll.u32 s1, $0xD;
	s1 =	sshrl.u32 s1, $0x2  }
0xbd: {  	s3 =	sand.u32 $0x4000, s31;
	s1 =	sadd.s32 s1, s30  }
0xbe: {  	s0 =	sor.u32 s3, s0;
	s1 =	sshll.u32 s1, $0x11  }
0xbf: {  	s0 =	sor.u32 s1, s0  }
0xc0: {  	s0 =	sadd.s32 $0x8F2B, s0  }
0xc1: {  	[sflag:s0] =	ssyncadd.remote.s32 $0x1  }
0xc2: {  	_ =	sfence.sel $0xFFFF  }
0xc3: {  	[dreg:$0x0] =	wrdreg $0xFFFFFFFF;
	(pc) =	sbr.abs _section_cstart, $3  }
0xc4: {  	[dreg:$0x1] =	wrdreg $0xFFFFFFFF  }
0xc5: {  	_ =	task.clear_ibuf [dreg:s9], $0x2FFFF;
	_ =	strace $0x9FFFFFFF  }
0xc6: {  	(tm) =	ssettm $0x7FFFFFFF  }
0xc7: {  	_ =	shalt  }
tec
execute0_lowered:
.L_overlay_start_1:
0x0: {  	(tag) =	ssettag $0x1  }
0x1: {  	s1 =	rddreg [dreg:$0x0]  }
0x2: {  	s8 =	rddreg [dreg:$0x1]  }
0x3: {  	s2 =	srdreg.scid;
	s3 =	rddreg [dreg:$0x2]  }
0x4: {  	s0 =	stileid.u32;
	s4 =	rddreg [dreg:$0x3]  }
0x5: {  	s5 =	simm.s32 $0x0;
	s17 =	simm.s32 $0x3180;
	s18 =	simm.s32 $0xA500  }
0x6: {  	s19 =	simm.s32 $0x16500;
	s9 =	sand.u32 $0x1, s2;
	s22 =	sshll.u32 s0, $0x1  }
0x7: {  	s20 =	simm.s32 $0x0;
	[smem:$0x7FF] =	sst s5;
	s15 =	sor.u32 s9, s22  }
0x8: {  	_ =	strace $0x80000047;
	s9 =	ssub.s32 $0x2, s9;
	s6 =	smul.u32 $0x62, s15  }
0x9: {  	s7 =	smax.u32 s15, $0x15;
	p0 =	slt.u32 s15, $0x15;
	s11 =	sshrl.u32 s9, $0x1  }
0xa: {  	s14 =	ssub.s32 s9, s11;
	s6 =	ssub.s32 s6, s7;
	s7 =	simm.s32 $0x62  }
0xb: {  	s14 =	smax.u32 s14, $0x1;
	s6 =	sadd.s32 $0x15, s6;
	s7 =	simm.s32 @!p0 $0x61  }
0xc: {  	p0 =	sgt.u32 s15, $0x14;
	s10 =	sshll.u32 s6, $0x4;
	s12 =	smul.u32 $0x56, s7  }
0xd: {  	s15 =	simm.s32 $0x80;
	s23 =	sshll.u32 s6, $0xB;
	s10 =	sand.u32 $0x1FFFFFF0, s10  }
0xe: {  	s25 =	sshll.u32 s6, $0xE;
	s9 =	sand.u32 $0x1FFFF800, s23;
	s24 =	sadd.s32 $0xFFFFFEFE, s12  }
0xf: {  	s8 =	sadd.s32 s10, s8;
	s13 =	sadd.s32 $0xFFFFFF54, s12;
	s10 =	sshrl.u32 s24, $0x8  }
0x10: {  	s12 =	sadd.s32 $0xFFFFFFAA, s12;
	s26 =	sshrl.u32 s13, $0x8;
	s16 =	smul.u32 $0x3, s10  }
0x11: {  	s11 =	sadd.s32 $0x4000, s25;
	s28 =	sshrl.u32 s12, $0x8;
	s13 =	smul.u32 $0x3, s26  }
0x12: {  	s9 =	sadd.s32 s1, s9;
	s11 =	sshrl.u32 s11, $0x3;
	s12 =	smul.u32 $0x3, s28  }
0x13: {  	s8 =	sadd.s32 $0x400, s8;
	s10 =	sadd.s32 s1, s11;
	s29 =	ssub.s32 s7, s16  }
0x14: {  	s13 =	ssub.s32 s7, s13;
	s12 =	sxor.u32 $0xFFFFFFFF, s12;
	s16 =	simm.s32 $0x3100  }
0x15: {  	s11 =	sadd.s32 $0xFFFFFFFD, s29;
	s13 =	sadd.s32 $0xFFFFFFFE, s13;
	s30 =	sadd.s32 s7, s12  }
0x16: {  	s11 =	sand.u32 $0xFF, s11;
	s13 =	sand.u32 $0xFF, s13;
	s31 =	sand.u32 $0xFF, s30  }
0x17: {  	s11 =	sadd.s32 $0x7, s11;
	s12 =	sadd.s32 $0x7, s13;
	s13 =	sadd.s32 $0x7, s31  }
.LBB2_1:
0x18: {  	s21 =	simm.s32 @p0 $0x0  }
0x19: {  	[tilespmem:s21], [sflag:$0xA] =	stream.linear.gather @p0 [hbm4b:s8+s21], $0x3080, $0x38;
	[tilespmem:$0x1E500] =	vst v63  }
0x1a: {  	s21 =	simm.s32 @p0 $0xA  }
0x1b: {  	_ =	swait.ge @p0 [sflag:s21], $0x3080  }
0x1c: {  	[sflag:s21] =	ssyncset.done @p0 $0x0  }
0x1d: {  	[sflag:s21] =	ssyncadd.s32 @p0 $0xFFFFCF80;
	s21 =	simm.s32 @!p0 $0x0  }
0x1e: {  	[tilespmem:s21], [sflag:$0xA] =	stream.linear.gather @!p0 [hbm4b:s8+s21], $0x3100, $0x38;
	[tilespmem:$0x1E500] =	vst v63  }
0x1f: {  	s21 =	simm.s32 @!p0 $0xA  }
0x20: {  	_ =	swait.ge @!p0 [sflag:s21], $0x3100  }
0x21: {  	[sflag:s21] =	ssyncset.done @!p0 $0x0  }
0x22: {  	s22 =	simm.s32 $0x0;
	[sflag:s21] =	ssyncadd.s32 @!p0 $0xFFFFCF00  }
0x23: {  	v0 =	vld [tilespmem:s22+$0x70]  }
0x24: {  	v1 =	vld [tilespmem:s22+$0x0]  }
0x25: {  	v2 =	vld [tilespmem:s22+$0x10]  }
0x26: {  	v3 =	vld [tilespmem:s22+$0x20]  }
0x27: {  	v4 =	vld [tilespmem:s22+$0x30]  }
0x28: {  	v5 =	vld [tilespmem:s22+$0x40]  }
0x29: {  	v6 =	vld [tilespmem:s22+$0x50]  }
0x2a: {  	v7 =	vld [tilespmem:s22+$0x60];
	_ =	sdelay $0x1  }
0x2b: {  	v0 =	vmul.f32 $9.990000000e+02, v0;
	v1 =	vmul.f32 $9.990000000e+02, v1  }
0x2c: {  	v2 =	vmul.f32 $9.990000000e+02, v2;
	v3 =	vmul.f32 $9.990000000e+02, v3  }
0x2d: {  	v4 =	vmul.f32 $9.990000000e+02, v4;
	v5 =	vmul.f32 $9.990000000e+02, v5  }
0x2e: {  	v6 =	vmul.f32 $9.990000000e+02, v6;
	v7 =	vmul.f32 $9.990000000e+02, v7  }
0x2f: {  	v0 =	vtrunc.f32 v0;
	v1 =	vtrunc.f32 v1  }
0x30: {  	v2 =	vtrunc.f32 v2;
	v0 =	vcvt.f32.s32 v0  }
0x31: {  	v3 =	vtrunc.f32 v3;
	v4 =	vtrunc.f32 v4  }
0x32: {  	v5 =	vtrunc.f32 v5;
	v6 =	vtrunc.f32 v6;
	vm0 =	vgt.s32 v0, $0x0  }
0x33: {  	v7 =	vtrunc.f32 v7;
	v1 =	vcvt.f32.s32 v1;
	v0 =	vnsel vm0, $0x0, v0  }
0x34: {  	v4 =	vcvt.f32.s32 v4;
	v5 =	vcvt.f32.s32 v5;
	v0 =	vmin.u32 v0, $0x3E7  }
0x35: {  	s21 =	simm.s32 $0x80;
	v6 =	vcvt.f32.s32 v6;
	v7 =	vcvt.f32.s32 v7;
	[tilespmem:s22+$0x3170] =	vst v0  }
0x36: {  	v0 =	vcvt.f32.s32 v2;
	v2 =	vcvt.f32.s32 v3;
	v3 =	vld [tilespmem:s21+$0x70]  }
0x37: {  	vm13 =	vgt.s32 v1, $0x0;
	vm3 =	vgt.s32 v4, $0x0;
	v8 =	vld [tilespmem:s21+$0x0]  }
0x38: {  	vm4 =	vgt.s32 v5, $0x0;
	vm14 =	vgt.s32 v6, $0x0;
	vm5 =	vgt.s32 v7, $0x0;
	v9 =	vld [tilespmem:s21+$0x10]  }
0x39: {  	v1 =	vnsel vm13, $0x0, v1;
	v4 =	vnsel vm3, $0x0, v4;
	v5 =	vnsel vm4, $0x0, v5;
	v10 =	vld [tilespmem:s21+$0x20]  }
0x3a: {  	v13 =	vnsel vm14, $0x0, v6;
	v7 =	vnsel vm5, $0x0, v7;
	v1 =	vmin.u32 v1, $0x3E7;
	v12 =	vld [tilespmem:s21+$0x40]  }
0x3b: {  	v4 =	vmin.u32 v4, $0x3E7;
	v11 =	vld [tilespmem:s21+$0x30];
	vm1 =	vgt.s32 v0, $0x0;
	v3 =	vmul.f32 $9.990000000e+02, v3  }
0x3c: {  	vm2 =	vgt.s32 v2, $0x0;
	v0 =	vnsel vm1, $0x0, v0;
	v6 =	vmul.f32 $9.990000000e+02, v8;
	v8 =	vld [tilespmem:s21+$0x50]  }
0x3d: {  	v14 =	vld [tilespmem:s21+$0x60];
	v2 =	vnsel vm2, $0x0, v2;
	v9 =	vmul.f32 $9.990000000e+02, v9;
	v3 =	vtrunc.f32 v3  }
0x3e: {  	v0 =	vmin.u32 v0, $0x3E7;
	v10 =	vmul.f32 $9.990000000e+02, v10;
	[tilespmem:s22+$0x3100] =	vst v1;
	v3 =	vcvt.f32.s32 v3  }
0x3f: {  	v2 =	vmin.u32 v2, $0x3E7;
	[tilespmem:s22+$0x3110] =	vst v0;
	v0 =	vmul.f32 $9.990000000e+02, v12;
	v1 =	vtrunc.f32 v6  }
0x40: {  	v6 =	vmul.f32 $9.990000000e+02, v11;
	v9 =	vtrunc.f32 v9;
	vm15 =	vgt.s32 v3, $0x0  }
0x41: {  	[tilespmem:s22+$0x3120] =	vst v2;
	v10 =	vtrunc.f32 v10;
	v2 =	vmul.f32 $9.990000000e+02, v8;
	v3 =	vnsel vm15, $0x0, v3  }
0x42: {  	[tilespmem:s22+$0x3130] =	vst v4;
	v4 =	vtrunc.f32 v6;
	v8 =	vmul.f32 $9.990000000e+02, v14;
	v63 =	vmin.u32 v3, $0x3E7  }
0x43: {  	v6 =	vtrunc.f32 v0;
	v3 =	vtrunc.f32 v2;
	v2 =	vmin.u32 v5, $0x3E7;
	[tilespmem:s21+$0x3170] =	vst v63  }
0x44: {  	v0 =	vcvt.f32.s32 v1;
	v5 =	vtrunc.f32 v8;
	v8 =	vmin.u32 v13, $0x3E7;
	[tilespmem:s22+$0x3140] =	vst v2  }
0x45: {  	s23 =	simm.s32 $0x100;
	s24 =	simm.s32 $0x600;
	v7 =	vmin.u32 v7, $0x3E7;
	v1 =	vcvt.f32.s32 v10;
	v2 =	vcvt.f32.s32 v9;
	[tilespmem:s22+$0x3150] =	vst v8  }
.LBB2_2:
0x46: {  	p1 =	sne.s32 s24, $0xC200;
	v8 =	vld [tilespmem:s23+$0x70];
	vm0 =	vgt.s32 v0, $0x0;
	v4 =	vcvt.f32.s32 v4;
	v6 =	vcvt.f32.s32 v6;
	[tilespmem:s22+$0x3160] =	vst v7;
	s22 =	smov.u32 s21;
	s21 =	smov.u32 s23  }
0x47: {  	v3 =	vcvt.f32.s32 v3;
	v5 =	vcvt.f32.s32 v5;
	v7 =	vld [tilespmem:s21+$0x0];
	vm1 =	vgt.s32 v2, $0x0  }
0x48: {  	vm2 =	vgt.s32 v1, $0x0;
	v9 =	vld [tilespmem:s21+$0x10];
	vm3 =	vgt.s32 v4, $0x0;
	vm4 =	vgt.s32 v6, $0x0  }
0x49: {  	v0 =	vnsel vm0, $0x0, v0;
	vm0 =	vgt.s32 v3, $0x0;
	vm5 =	vgt.s32 v5, $0x0;
	v10 =	vld [tilespmem:s21+$0x20]  }
0x4a: {  	v2 =	vnsel vm1, $0x0, v2;
	v1 =	vnsel vm2, $0x0, v1;
	v4 =	vnsel vm3, $0x0, v4;
	v11 =	vld [tilespmem:s21+$0x30]  }
0x4b: {  	v13 =	vnsel vm4, $0x0, v6;
	v14 =	vnsel vm0, $0x0, v3;
	v12 =	vld [tilespmem:s21+$0x40];
	v8 =	vmul.f32 $9.990000000e+02, v8  }
0x4c: {  	v0 =	vmin.u32 v0, $0x3E7;
	v3 =	vmul.f32 $9.990000000e+02, v7;
	v6 =	vld [tilespmem:s21+$0x50];
	v7 =	vnsel vm5, $0x0, v5  }
0x4d: {  	v5 =	vmul.f32 $9.990000000e+02, v9;
	v9 =	vld [tilespmem:s21+$0x60];
	v8 =	vtrunc.f32 v8;
	[tilespmem:s22+$0x3100] =	vst v0;
	v0 =	vmin.u32 v2, $0x3E7  }
0x4e: {  	v2 =	vmul.f32 $9.990000000e+02, v10;
	v8 =	vcvt.f32.s32 v8;
	[tilespmem:s22+$0x3110] =	vst v0;
	v0 =	vmin.u32 v1, $0x3E7  }
0x4f: {  	v1 =	vtrunc.f32 v3;
	v3 =	vmul.f32 $9.990000000e+02, v11;
	[tilespmem:s22+$0x3120] =	vst v0;
	v0 =	vmin.u32 v4, $0x3E7  }
0x50: {  	v10 =	vtrunc.f32 v5;
	v5 =	vmul.f32 $9.990000000e+02, v12;
	vm0 =	vgt.s32 v8, $0x0;
	[tilespmem:s22+$0x3130] =	vst v0  }
.Ltmp0:
0x51: {  	v11 =	vtrunc.f32 v2;
	v0 =	vmul.f32 $9.990000000e+02, v6;
	v2 =	vnsel vm0, $0x0, v8;
	(pc) =	sbr.rel @p1 .LBB2_2-.Ltmp0, $4  }
0x52: {  	v4 =	vtrunc.f32 v3;
	v8 =	vmul.f32 $9.990000000e+02, v9;
	v2 =	vmin.u32 v2, $0x3E7  }
0x53: {  	v6 =	vtrunc.f32 v5;
	v3 =	vtrunc.f32 v0;
	[tilespmem:s21+$0x3170] =	vst v2;
	v2 =	vmin.u32 v13, $0x3E7  }
0x54: {  	v0 =	vcvt.f32.s32 v1;
	v5 =	vtrunc.f32 v8;
	[tilespmem:s22+$0x3140] =	vst v2;
	v8 =	vmin.u32 v14, $0x3E7  }
0x55: {  	s23 =	sshra.s32 s24, $0x2;
	s24 =	sadd.s32 $0x200, s24;
	v7 =	vmin.u32 v7, $0x3E7;
	v1 =	vcvt.f32.s32 v11;
	v2 =	vcvt.f32.s32 v10;
	[tilespmem:s22+$0x3150] =	vst v8  }
0x56: {  	v8 =	vld [tilespmem:s23+$0x70];
	[tilespmem:s22+$0x3160] =	vst v7  }
0x57: {  	v7 =	vld [tilespmem:s23+$0x0]  }
0x58: {  	v4 =	vcvt.f32.s32 v4;
	v9 =	vld [tilespmem:s23+$0x10]  }
0x59: {  	vm0 =	vgt.s32 v0, $0x0;
	v6 =	vcvt.f32.s32 v6;
	v3 =	vcvt.f32.s32 v3;
	v10 =	vld [tilespmem:s23+$0x20]  }
0x5a: {  	v5 =	vcvt.f32.s32 v5;
	vm1 =	vgt.s32 v2, $0x0;
	vm2 =	vgt.s32 v1, $0x0;
	v11 =	vld [tilespmem:s23+$0x30]  }
0x5b: {  	v0 =	vnsel vm0, $0x0, v0;
	v12 =	vld [tilespmem:s23+$0x40];
	vm3 =	vgt.s32 v4, $0x0;
	vm4 =	vgt.s32 v6, $0x0  }
0x5c: {  	v13 =	vld [tilespmem:s23+$0x50];
	vm15 =	vgt.s32 v3, $0x0;
	vm5 =	vgt.s32 v5, $0x0;
	v2 =	vnsel vm1, $0x0, v2  }
0x5d: {  	v14 =	vld [tilespmem:s23+$0x60];
	v1 =	vnsel vm2, $0x0, v1;
	v0 =	vmin.u32 v0, $0x3E7;
	v4 =	vnsel vm3, $0x0, v4  }
0x5e: {  	v6 =	vnsel vm4, $0x0, v6;
	v3 =	vnsel vm15, $0x0, v3;
	v8 =	vmul.f32 $9.990000000e+02, v8  }
0x5f: {  	v5 =	vnsel vm5, $0x0, v5;
	v7 =	vmul.f32 $9.990000000e+02, v7;
	v9 =	vmul.f32 $9.990000000e+02, v9  }
0x60: {  	v2 =	vmin.u32 v2, $0x3E7;
	v10 =	vmul.f32 $9.990000000e+02, v10;
	v11 =	vmul.f32 $9.990000000e+02, v11  }
0x61: {  	v1 =	vmin.u32 v1, $0x3E7;
	v12 =	vmul.f32 $9.990000000e+02, v12;
	v49 =	vmul.f32 $9.990000000e+02, v13  }
0x62: {  	v4 =	vmin.u32 v4, $0x3E7;
	v50 =	vmul.f32 $9.990000000e+02, v14;
	v8 =	vtrunc.f32 v8  }
0x63: {  	v51 =	vmin.u32 v6, $0x3E7;
	v8 =	vcvt.f32.s32 v8;
	v7 =	vtrunc.f32 v7  }
0x64: {  	[tilespmem:s21+$0x3100] =	vst v0;
	v3 =	vmin.u32 v3, $0x3E7;
	v9 =	vtrunc.f32 v9;
	v10 =	vtrunc.f32 v10  }
0x65: {  	[tilespmem:s21+$0x3110] =	vst v2;
	v11 =	vtrunc.f32 v11;
	v12 =	vtrunc.f32 v12;
	vm8 =	vgt.s32 v8, $0x0  }
0x66: {  	[tilespmem:s21+$0x3120] =	vst v1;
	v0 =	vtrunc.f32 v49;
	v2 =	vtrunc.f32 v50;
	v8 =	vnsel vm8, $0x0, v8  }
0x67: {  	[tilespmem:s21+$0x3130] =	vst v4;
	v52 =	vcvt.f32.s32 v7;
	v53 =	vcvt.f32.s32 v9;
	v8 =	vmin.u32 v8, $0x3E7  }
0x68: {  	v5 =	vmin.u32 v5, $0x3E7;
	v54 =	vcvt.f32.s32 v10;
	v55 =	vcvt.f32.s32 v11;
	[tilespmem:s23+$0x3170] =	vst v8  }
0x69: {  	v56 =	vcvt.f32.s32 v12;
	v0 =	vcvt.f32.s32 v0;
	vm9 =	vgt.s32 v52, $0x0;
	[tilespmem:s21+$0x3140] =	vst v51  }
0x6a: {  	v2 =	vcvt.f32.s32 v2;
	vm10 =	vgt.s32 v53, $0x0;
	v57 =	vnsel vm9, $0x0, v52;
	[tilespmem:s21+$0x3150] =	vst v3  }
0x6b: {  	vm11 =	vgt.s32 v54, $0x0;
	v4 =	vnsel vm10, $0x0, v53;
	[tilespmem:s21+$0x3160] =	vst v5;
	v3 =	vmin.u32 v57, $0x3E7  }
0x6c: {  	vm12 =	vgt.s32 v55, $0x0;
	v58 =	vnsel vm11, $0x0, v54;
	v59 =	vmin.u32 v4, $0x3E7;
	[tilespmem:s23+$0x3100] =	vst v3  }
0x6d: {  	vm13 =	vgt.s32 v56, $0x0;
	v1 =	vnsel vm12, $0x0, v55;
	v60 =	vmin.u32 v58, $0x3E7;
	[tilespmem:s23+$0x3110] =	vst v59  }
0x6e: {  	vm14 =	vgt.s32 v0, $0x0;
	v61 =	vnsel vm13, $0x0, v56;
	v1 =	vmin.u32 v1, $0x3E7;
	[tilespmem:s23+$0x3120] =	vst v60  }
0x6f: {  	vm15 =	vgt.s32 v2, $0x0;
	v0 =	vnsel vm14, $0x0, v0;
	v62 =	vmin.u32 v61, $0x3E7;
	[tilespmem:s23+$0x3130] =	vst v1  }
0x70: {  	v2 =	vnsel vm15, $0x0, v2;
	v0 =	vmin.u32 v0, $0x3E7;
	[tilespmem:s23+$0x3140] =	vst v62  }
0x71: {  	v63 =	vmin.u32 v2, $0x3E7;
	[tilespmem:s23+$0x3150] =	vst v0  }
0x72: {  	s21 =	simm.s32 $0x6500;
	[tilespmem:s23+$0x3160] =	vst v63  }
0x73: {  	[tilespmem:s21], [sflag:$0x1] =	stream.indirect.gather [hbm4b:s3+s15], $0x80, s16, s15, $0xb8;
	[tilespmem:$0x1E500] =	vst v63  }
0x74: {  	s22 =	simm.s32 $0x0;
	s23 =	simm.s32 $0x12500  }
0x75: {  	[tilespmem:s23], [sflag:$0x4] =	stream.linear.gather [hbm4b:s9+s22], $0x4000, $0x38;
	[tilespmem:$0x1E500] =	vst v63  }
0x76: {  	_ = 	snop  }
0x77: {  	[tilespmem:s18], [sflag:$0x2] =	stream.indirect.gather [hbm4b:s3+s15], $0x80, s17, s15, $0xb8;
	[tilespmem:$0x1E500] =	vst v63  }
0x78: {  	_ = 	snop  }
0x79: {  	[tilespmem:s19], [sflag:$0x5] =	stream.linear.gather [hbm4b:s10+s22], $0x4000, $0x38;
	[tilespmem:$0x1E500] =	vst v63  }
.LBB2_4:
0x7a: {  	s24 =	sadd.s32 $0x2, s22  }
0x7b: {  	p1 =	sge.u32 s24, s7  }
0x7c: {  	s25 =	smulhi.u32 @!p1 $0xAAAAAAAB, s24;
	_ =	sdelay $0x1  }
0x7d: {  	s25 =	sshrl.u32 @!p1 s25, $0x1  }
0x7e: {  	s25 =	smul.u32 @!p1 $0x3, s25  }
0x7f: {  	s28 =	smulhi.u32 $0xAAAAAAAB, s22;
	p2 =	seq.s32 @!p1 s22, $0x0  }
0x80: {  	s30 =	sshll.u32 @!p1 s24, $0x7;
	p2 =	por p2, p1;
	s25 =	ssub.s32 @!p1 s24, s25  }
0x81: {  	s2 =	simm.s32 @!p1 $0x80;
	s30 =	sand.u32 @!p1 $0x3FFFFF80, s30;
	s26 =	sadd.s32 @!p2 $0x7, s25  }
0x82: {  	s30 =	sadd.s32 @!p1 $0x3100, s30;
	s24 =	sadd.s32 @!p1 s6, s24;
	_ =	swait.ge @!p2 [sflag:s26], $0x4000  }
0x83: {  	s29 =	sshll.u32 @!p1 s25, $0xE;
	s31 =	sadd.s32 @!p1 $0x1, s25;
	[sflag:s26] =	ssyncset.done @!p2 $0x0  }
0x84: {  	s24 =	sshll.u32 @!p1 s24, $0xB;
	[sflag:s26] =	ssyncadd.s32 @!p2 $0xFFFFC000;
	s26 =	sadd.s32 @!p1 $0x6500, s29  }
0x85: {  	[tilespmem:s26], [sflag:s31] =	stream.indirect.gather @!p1 [hbm4b:s3+s2], $0x80, s30, s2, $0xb8;
	[tilespmem:$0x1E500] =	vst v63  }
0x86: {  	s25 =	sadd.s32 @!p1 $0x4, s25;
	s24 =	sadd.s32 @!p1 s1, s24;
	s31 =	sshrl.u32 s28, $0x1  }
0x87: {  	s26 =	sadd.s32 @!p1 $0x12500, s29;
	s28 =	simm.s32 @!p1 $0x0;
	s29 =	smul.u32 $0x3, s31  }
0x88: {  	[tilespmem:s26], [sflag:s25] =	stream.linear.gather @!p1 [hbm4b:s24+s28], $0x4000, $0x38;
	[tilespmem:$0x1E500] =	vst v63  }
0x89: {  	s2 =	smul.u32 $0xFFFD0000, s31;
	s24 =	ssub.s32 s22, s29  }
0x8a: {  	s31 =	sadd.s32 $0x1, s24  }
0x8b: {  	s25 =	sshra.s32 s2, $0x2;
	_ =	swait.ge [sflag:s31], $0x4000  }
0x8c: {  	v0 =	vmov s25;
	[sflag:s31] =	ssyncset.done $0x0  }
0x8d: {  	[sflag:s31] =	ssyncadd.s32 $0xFFFFC000;
	s31 =	sor.u32 $0x4, s24  }
0x8e: {  	_ =	swait.ge [sflag:s31], $0x4000  }
0x8f: {  	[sflag:s31] =	ssyncset.done $0x0  }
0x90: {  	[sflag:s31] =	ssyncadd.s32 $0xFFFFC000  }
0x91: {  	v1 =	vld.idx.msk [tilespmem:v0+s21+$0x380 ss:$0x1], $0xffff  }
0x92: {  	v2 =	vld.idx.msk [tilespmem:v0+s21+$0x80 ss:$0x1], $0xffff  }
0x93: {  	v3 =	vld.idx.msk [tilespmem:v0+s21+$0x100 ss:$0x1], $0xffff  }
0x94: {  	v4 =	vld.idx.msk [tilespmem:v0+s21+$0x180 ss:$0x1], $0xffff  }
0x95: {  	v5 =	vld.idx.msk [tilespmem:v0+s21+$0x200 ss:$0x1], $0xffff  }
0x96: {  	v6 =	vld.idx.msk [tilespmem:v0+s21+$0x280 ss:$0x1], $0xffff  }
0x97: {  	v7 =	vld.idx.msk [tilespmem:v0+s21+$0x300 ss:$0x1], $0xffff  }
0x98: {  	s29 =	sadd.s32 s25, s23;
	v8 =	vld.idx.msk [tilespmem:v0+s21+$0x0 ss:$0x1], $0xffff  }
0x99: {  	[tilespmem:s29+$0x380] =	vst.add.f32.msk $0xffff, v1  }
0x9a: {  	[tilespmem:s29+$0x80] =	vst.add.f32.msk $0xffff, v2  }
0x9b: {  	[tilespmem:s29+$0x100] =	vst.add.f32.msk $0xffff, v3  }
0x9c: {  	[tilespmem:s29+$0x180] =	vst.add.f32.msk $0xffff, v4  }
0x9d: {  	[tilespmem:s29+$0x0] =	vst.add.f32.msk $0xffff, v8  }
0x9e: {  	[tilespmem:s29+$0x200] =	vst.add.f32.msk $0xffff, v5  }
0x9f: {  	[tilespmem:s29+$0x280] =	vst.add.f32.msk $0xffff, v6  }
0xa0: {  	[tilespmem:s29+$0x300] =	vst.add.f32.msk $0xffff, v7  }
0xa1: {  	v1 =	vld.idx.msk [tilespmem:v0+s21+$0x390 ss:$0x1], $0xffff  }
0xa2: {  	v2 =	vld.idx.msk [tilespmem:v0+s21+$0x10 ss:$0x1], $0xffff  }
0xa3: {  	v3 =	vld.idx.msk [tilespmem:v0+s21+$0x90 ss:$0x1], $0xffff  }
0xa4: {  	v55 =	vld.idx.msk [tilespmem:v0+s21+$0x110 ss:$0x1], $0xffff  }
0xa5: {  	v56 =	vld.idx.msk [tilespmem:v0+s21+$0x190 ss:$0x1], $0xffff  }
0xa6: {  	v57 =	vld.idx.msk [tilespmem:v0+s21+$0x210 ss:$0x1], $0xffff  }
0xa7: {  	v58 =	vld.idx.msk [tilespmem:v0+s21+$0x290 ss:$0x1], $0xffff  }
0xa8: {  	v59 =	vld.idx.msk [tilespmem:v0+s21+$0x310 ss:$0x1], $0xffff  }
0xa9: {  	[tilespmem:s29+$0x390] =	vst.add.f32.msk $0xffff, v1  }
0xaa: {  	[tilespmem:s29+$0x10] =	vst.add.f32.msk $0xffff, v2  }
0xab: {  	[tilespmem:s29+$0x90] =	vst.add.f32.msk $0xffff, v3  }
0xac: {  	[tilespmem:s29+$0x110] =	vst.add.f32.msk $0xffff, v55  }
0xad: {  	[tilespmem:s29+$0x190] =	vst.add.f32.msk $0xffff, v56  }
0xae: {  	[tilespmem:s29+$0x210] =	vst.add.f32.msk $0xffff, v57  }
0xaf: {  	[tilespmem:s29+$0x290] =	vst.add.f32.msk $0xffff, v58  }
0xb0: {  	[tilespmem:s29+$0x310] =	vst.add.f32.msk $0xffff, v59  }
0xb1: {  	v1 =	vld.idx.msk [tilespmem:v0+s21+$0x3A0 ss:$0x1], $0xffff  }
0xb2: {  	v2 =	vld.idx.msk [tilespmem:v0+s21+$0x20 ss:$0x1], $0xffff  }
0xb3: {  	v3 =	vld.idx.msk [tilespmem:v0+s21+$0xA0 ss:$0x1], $0xffff  }
0xb4: {  	v4 =	vld.idx.msk [tilespmem:v0+s21+$0x120 ss:$0x1], $0xffff  }
0xb5: {  	v5 =	vld.idx.msk [tilespmem:v0+s21+$0x1A0 ss:$0x1], $0xffff  }
0xb6: {  	v6 =	vld.idx.msk [tilespmem:v0+s21+$0x220 ss:$0x1], $0xffff  }
0xb7: {  	v7 =	vld.idx.msk [tilespmem:v0+s21+$0x2A0 ss:$0x1], $0xffff  }
0xb8: {  	v8 =	vld.idx.msk [tilespmem:v0+s21+$0x320 ss:$0x1], $0xffff  }
0xb9: {  	[tilespmem:s29+$0x3A0] =	vst.add.f32.msk $0xffff, v1  }
0xba: {  	[tilespmem:s29+$0x20] =	vst.add.f32.msk $0xffff, v2  }
0xbb: {  	[tilespmem:s29+$0xA0] =	vst.add.f32.msk $0xffff, v3  }
0xbc: {  	[tilespmem:s29+$0x120] =	vst.add.f32.msk $0xffff, v4  }
0xbd: {  	[tilespmem:s29+$0x1A0] =	vst.add.f32.msk $0xffff, v5  }
0xbe: {  	[tilespmem:s29+$0x220] =	vst.add.f32.msk $0xffff, v6  }
0xbf: {  	[tilespmem:s29+$0x2A0] =	vst.add.f32.msk $0xffff, v7  }
0xc0: {  	[tilespmem:s29+$0x320] =	vst.add.f32.msk $0xffff, v8  }
0xc1: {  	v1 =	vld.idx.msk [tilespmem:v0+s21+$0x3B0 ss:$0x1], $0xffff  }
0xc2: {  	v2 =	vld.idx.msk [tilespmem:v0+s21+$0xB0 ss:$0x1], $0xffff  }
0xc3: {  	v3 =	vld.idx.msk [tilespmem:v0+s21+$0x130 ss:$0x1], $0xffff  }
0xc4: {  	v60 =	vld.idx.msk [tilespmem:v0+s21+$0x1B0 ss:$0x1], $0xffff  }
0xc5: {  	v61 =	vld.idx.msk [tilespmem:v0+s21+$0x230 ss:$0x1], $0xffff  }
0xc6: {  	v62 =	vld.idx.msk [tilespmem:v0+s21+$0x2B0 ss:$0x1], $0xffff  }
0xc7: {  	v63 =	vld.idx.msk [tilespmem:v0+s21+$0x330 ss:$0x1], $0xffff  }
0xc8: {  	[tilespmem:s29+$0x3B0] =	vst.add.f32.msk $0xffff, v1  }
0xc9: {  	[tilespmem:s29+$0xB0] =	vst.add.f32.msk $0xffff, v2  }
0xca: {  	[tilespmem:s29+$0x130] =	vst.add.f32.msk $0xffff, v3  }
0xcb: {  	[tilespmem:s29+$0x1B0] =	vst.add.f32.msk $0xffff, v60  }
0xcc: {  	[tilespmem:s29+$0x230] =	vst.add.f32.msk $0xffff, v61  }
0xcd: {  	[tilespmem:s29+$0x2B0] =	vst.add.f32.msk $0xffff, v62  }
0xce: {  	[tilespmem:s29+$0x330] =	vst.add.f32.msk $0xffff, v63  }
0xcf: {  	v1 =	vld.idx.msk [tilespmem:v0+s21+$0x3C0 ss:$0x1], $0xffff  }
0xd0: {  	v2 =	vld.idx.msk [tilespmem:v0+s21+$0xC0 ss:$0x1], $0xffff  }
0xd1: {  	v3 =	vld.idx.msk [tilespmem:v0+s21+$0x140 ss:$0x1], $0xffff  }
0xd2: {  	v4 =	vld.idx.msk [tilespmem:v0+s21+$0x1C0 ss:$0x1], $0xffff  }
0xd3: {  	v5 =	vld.idx.msk [tilespmem:v0+s21+$0x240 ss:$0x1], $0xffff  }
0xd4: {  	v6 =	vld.idx.msk [tilespmem:v0+s21+$0x2C0 ss:$0x1], $0xffff  }
0xd5: {  	v7 =	vld.idx.msk [tilespmem:v0+s21+$0x340 ss:$0x1], $0xffff  }
0xd6: {  	[tilespmem:s29+$0x3C0] =	vst.add.f32.msk $0xffff, v1  }
0xd7: {  	[tilespmem:s29+$0xC0] =	vst.add.f32.msk $0xffff, v2  }
0xd8: {  	[tilespmem:s29+$0x140] =	vst.add.f32.msk $0xffff, v3  }
0xd9: {  	[tilespmem:s29+$0x1C0] =	vst.add.f32.msk $0xffff, v4  }
0xda: {  	[tilespmem:s29+$0x240] =	vst.add.f32.msk $0xffff, v5  }
0xdb: {  	[tilespmem:s29+$0x2C0] =	vst.add.f32.msk $0xffff, v6  }
0xdc: {  	[tilespmem:s29+$0x340] =	vst.add.f32.msk $0xffff, v7  }
0xdd: {  	v1 =	vld.idx.msk [tilespmem:v0+s21+$0x3D0 ss:$0x1], $0xffff  }
0xde: {  	v2 =	vld.idx.msk [tilespmem:v0+s21+$0xD0 ss:$0x1], $0xffff  }
0xdf: {  	v3 =	vld.idx.msk [tilespmem:v0+s21+$0x150 ss:$0x1], $0xffff  }
0xe0: {  	v4 =	vld.idx.msk [tilespmem:v0+s21+$0x1D0 ss:$0x1], $0xffff  }
0xe1: {  	v5 =	vld.idx.msk [tilespmem:v0+s21+$0x250 ss:$0x1], $0xffff  }
0xe2: {  	v6 =	vld.idx.msk [tilespmem:v0+s21+$0x2D0 ss:$0x1], $0xffff  }
0xe3: {  	v7 =	vld.idx.msk [tilespmem:v0+s21+$0x350 ss:$0x1], $0xffff  }
0xe4: {  	[tilespmem:s29+$0x3D0] =	vst.add.f32.msk $0xffff, v1  }
0xe5: {  	[tilespmem:s29+$0xD0] =	vst.add.f32.msk $0xffff, v2  }
0xe6: {  	[tilespmem:s29+$0x150] =	vst.add.f32.msk $0xffff, v3  }
0xe7: {  	v1 =	vld.idx.msk [tilespmem:v0+s21+$0x3E0 ss:$0x1], $0xffff  }
0xe8: {  	[tilespmem:s29+$0x1D0] =	vst.add.f32.msk $0xffff, v4  }
0xe9: {  	[tilespmem:s29+$0x250] =	vst.add.f32.msk $0xffff, v5  }
0xea: {  	[tilespmem:s29+$0x2D0] =	vst.add.f32.msk $0xffff, v6  }
0xeb: {  	[tilespmem:s29+$0x350] =	vst.add.f32.msk $0xffff, v7  }
0xec: {  	[tilespmem:s29+$0x3E0] =	vst.add.f32.msk $0xffff, v1  }
0xed: {  	v1 =	vld.idx.msk [tilespmem:v0+s21+$0x3F0 ss:$0x1], $0xffff  }
0xee: {  	v2 =	vld.idx.msk [tilespmem:v0+s21+$0xE0 ss:$0x1], $0xffff  }
0xef: {  	v3 =	vld.idx.msk [tilespmem:v0+s21+$0x160 ss:$0x1], $0xffff  }
0xf0: {  	v4 =	vld.idx.msk [tilespmem:v0+s21+$0x1E0 ss:$0x1], $0xffff  }
0xf1: {  	v5 =	vld.idx.msk [tilespmem:v0+s21+$0x260 ss:$0x1], $0xffff  }
0xf2: {  	[tilespmem:s29+$0x3F0] =	vst.add.f32.msk $0xffff, v1  }
0xf3: {  	v1 =	vld.idx.msk [tilespmem:v0+s21+$0x30 ss:$0x1], $0xffff  }
0xf4: {  	v6 =	vld.idx.msk [tilespmem:v0+s21+$0x2E0 ss:$0x1], $0xffff  }
0xf5: {  	v7 =	vld.idx.msk [tilespmem:v0+s21+$0x360 ss:$0x1], $0xffff  }
0xf6: {  	[tilespmem:s29+$0xE0] =	vst.add.f32.msk $0xffff, v2  }
0xf7: {  	[tilespmem:s29+$0x160] =	vst.add.f32.msk $0xffff, v3  }
0xf8: {  	[tilespmem:s29+$0x30] =	vst.add.f32.msk $0xffff, v1  }
0xf9: {  	v1 =	vld.idx.msk [tilespmem:v0+s21+$0x40 ss:$0x1], $0xffff  }
0xfa: {  	[tilespmem:s29+$0x1E0] =	vst.add.f32.msk $0xffff, v4  }
0xfb: {  	[tilespmem:s29+$0x260] =	vst.add.f32.msk $0xffff, v5  }
0xfc: {  	[tilespmem:s29+$0x2E0] =	vst.add.f32.msk $0xffff, v6  }
0xfd: {  	[tilespmem:s29+$0x360] =	vst.add.f32.msk $0xffff, v7  }
0xfe: {  	[tilespmem:s29+$0x40] =	vst.add.f32.msk $0xffff, v1  }
0xff: {  	v1 =	vld.idx.msk [tilespmem:v0+s21+$0x50 ss:$0x1], $0xffff  }
0x100: {  	v2 =	vld.idx.msk [tilespmem:v0+s21+$0xF0 ss:$0x1], $0xffff  }
0x101: {  	v3 =	vld.idx.msk [tilespmem:v0+s21+$0x170 ss:$0x1], $0xffff  }
0x102: {  	v4 =	vld.idx.msk [tilespmem:v0+s21+$0x1F0 ss:$0x1], $0xffff  }
0x103: {  	v5 =	vld.idx.msk [tilespmem:v0+s21+$0x270 ss:$0x1], $0xffff  }
0x104: {  	[tilespmem:s29+$0x50] =	vst.add.f32.msk $0xffff, v1  }
0x105: {  	v1 =	vld.idx.msk [tilespmem:v0+s21+$0x60 ss:$0x1], $0xffff  }
0x106: {  	v6 =	vld.idx.msk [tilespmem:v0+s21+$0x2F0 ss:$0x1], $0xffff  }
0x107: {  	v7 =	vld.idx.msk [tilespmem:v0+s21+$0x370 ss:$0x1], $0xffff  }
0x108: {  	[tilespmem:s29+$0xF0] =	vst.add.f32.msk $0xffff, v2  }
0x109: {  	[tilespmem:s29+$0x170] =	vst.add.f32.msk $0xffff, v3  }
0x10a: {  	[tilespmem:s29+$0x60] =	vst.add.f32.msk $0xffff, v1  }
0x10b: {  	v1 =	vld.idx.msk [tilespmem:v0+s21+$0x70 ss:$0x1], $0xffff  }
0x10c: {  	[tilespmem:s29+$0x1F0] =	vst.add.f32.msk $0xffff, v4  }
0x10d: {  	[tilespmem:s29+$0x270] =	vst.add.f32.msk $0xffff, v5  }
0x10e: {  	[tilespmem:s29+$0x2F0] =	vst.add.f32.msk $0xffff, v6  }
0x10f: {  	s30 =	smov.u32 s23;
	[tilespmem:s29+$0x370] =	vst.add.f32.msk $0xffff, v7  }
0x110: {  	s28 =	simm.s32 $0x0;
	s26 =	sshll.u32 s24, $0xE;
	[tilespmem:s29+$0x70] =	vst.add.f32.msk $0xffff, v1;
	s29 =	sadd.s32 $0x400, s21  }
.LBB2_5:
0x111: {  	v1 =	vld.idx.msk [tilespmem:v0+s29+$0x380 ss:$0x1], $0xffff;
	s28 =	sadd.s32 $0x8, s28  }
0x112: {  	v2 =	vld.idx.msk [tilespmem:v0+s29+$0x80 ss:$0x1], $0xffff;
	p1 =	slt.u32 s28, $0x78  }
0x113: {  	v3 =	vld.idx.msk [tilespmem:v0+s29+$0x100 ss:$0x1], $0xffff  }
0x114: {  	v4 =	vld.idx.msk [tilespmem:v0+s29+$0x180 ss:$0x1], $0xffff  }
0x115: {  	s30 =	sadd.s32 $0x400, s30;
	v5 =	vld.idx.msk [tilespmem:v0+s29+$0x200 ss:$0x1], $0xffff  }
0x116: {  	s31 =	sadd.s32 s25, s30;
	v6 =	vld.idx.msk [tilespmem:v0+s29+$0x280 ss:$0x1], $0xffff  }
0x117: {  	[tilespmem:s31+$0x380] =	vst.add.f32.msk $0xffff, v1  }
0x118: {  	v1 =	vld.idx.msk [tilespmem:v0+s29+$0x390 ss:$0x1], $0xffff  }
0x119: {  	v7 =	vld.idx.msk [tilespmem:v0+s29+$0x300 ss:$0x1], $0xffff  }
0x11a: {  	v8 =	vld.idx.msk [tilespmem:v0+s29+$0x0 ss:$0x1], $0xffff  }
0x11b: {  	[tilespmem:s31+$0x80] =	vst.add.f32.msk $0xffff, v2  }
0x11c: {  	[tilespmem:s31+$0x100] =	vst.add.f32.msk $0xffff, v3  }
0x11d: {  	[tilespmem:s31+$0x180] =	vst.add.f32.msk $0xffff, v4  }
0x11e: {  	[tilespmem:s31+$0x390] =	vst.add.f32.msk $0xffff, v1  }
0x11f: {  	v1 =	vld.idx.msk [tilespmem:v0+s29+$0x3A0 ss:$0x1], $0xffff  }
0x120: {  	[tilespmem:s31+$0x0] =	vst.add.f32.msk $0xffff, v8  }
0x121: {  	[tilespmem:s31+$0x200] =	vst.add.f32.msk $0xffff, v5  }
0x122: {  	[tilespmem:s31+$0x280] =	vst.add.f32.msk $0xffff, v6  }
0x123: {  	[tilespmem:s31+$0x300] =	vst.add.f32.msk $0xffff, v7  }
0x124: {  	v2 =	vld.idx.msk [tilespmem:v0+s29+$0x10 ss:$0x1], $0xffff  }
0x125: {  	[tilespmem:s31+$0x3A0] =	vst.add.f32.msk $0xffff, v1  }
0x126: {  	v1 =	vld.idx.msk [tilespmem:v0+s29+$0x3B0 ss:$0x1], $0xffff  }
0x127: {  	v3 =	vld.idx.msk [tilespmem:v0+s29+$0x90 ss:$0x1], $0xffff  }
0x128: {  	v4 =	vld.idx.msk [tilespmem:v0+s29+$0x110 ss:$0x1], $0xffff  }
0x129: {  	v5 =	vld.idx.msk [tilespmem:v0+s29+$0x190 ss:$0x1], $0xffff  }
0x12a: {  	v6 =	vld.idx.msk [tilespmem:v0+s29+$0x210 ss:$0x1], $0xffff  }
0x12b: {  	v7 =	vld.idx.msk [tilespmem:v0+s29+$0x290 ss:$0x1], $0xffff  }
0x12c: {  	[tilespmem:s31+$0x3B0] =	vst.add.f32.msk $0xffff, v1  }
0x12d: {  	v1 =	vld.idx.msk [tilespmem:v0+s29+$0x3C0 ss:$0x1], $0xffff  }
0x12e: {  	v8 =	vld.idx.msk [tilespmem:v0+s29+$0x310 ss:$0x1], $0xffff  }
0x12f: {  	[tilespmem:s31+$0x10] =	vst.add.f32.msk $0xffff, v2  }
0x130: {  	[tilespmem:s31+$0x90] =	vst.add.f32.msk $0xffff, v3  }
0x131: {  	[tilespmem:s31+$0x110] =	vst.add.f32.msk $0xffff, v4  }
0x132: {  	[tilespmem:s31+$0x190] =	vst.add.f32.msk $0xffff, v5  }
0x133: {  	[tilespmem:s31+$0x3C0] =	vst.add.f32.msk $0xffff, v1  }
0x134: {  	v1 =	vld.idx.msk [tilespmem:v0+s29+$0x3D0 ss:$0x1], $0xffff  }
0x135: {  	[tilespmem:s31+$0x210] =	vst.add.f32.msk $0xffff, v6  }
0x136: {  	[tilespmem:s31+$0x290] =	vst.add.f32.msk $0xffff, v7  }
0x137: {  	[tilespmem:s31+$0x310] =	vst.add.f32.msk $0xffff, v8  }
0x138: {  	v2 =	vld.idx.msk [tilespmem:v0+s29+$0x20 ss:$0x1], $0xffff  }
0x139: {  	v3 =	vld.idx.msk [tilespmem:v0+s29+$0xA0 ss:$0x1], $0xffff  }
0x13a: {  	[tilespmem:s31+$0x3D0] =	vst.add.f32.msk $0xffff, v1  }
0x13b: {  	v1 =	vld.idx.msk [tilespmem:v0+s29+$0x3E0 ss:$0x1], $0xffff  }
0x13c: {  	v4 =	vld.idx.msk [tilespmem:v0+s29+$0x120 ss:$0x1], $0xffff  }
0x13d: {  	v5 =	vld.idx.msk [tilespmem:v0+s29+$0x1A0 ss:$0x1], $0xffff  }
0x13e: {  	v6 =	vld.idx.msk [tilespmem:v0+s29+$0x220 ss:$0x1], $0xffff  }
0x13f: {  	v7 =	vld.idx.msk [tilespmem:v0+s29+$0x2A0 ss:$0x1], $0xffff  }
0x140: {  	v8 =	vld.idx.msk [tilespmem:v0+s29+$0x320 ss:$0x1], $0xffff  }
0x141: {  	[tilespmem:s31+$0x3E0] =	vst.add.f32.msk $0xffff, v1  }
0x142: {  	v1 =	vld.idx.msk [tilespmem:v0+s29+$0x3F0 ss:$0x1], $0xffff  }
0x143: {  	[tilespmem:s31+$0x20] =	vst.add.f32.msk $0xffff, v2  }
0x144: {  	[tilespmem:s31+$0xA0] =	vst.add.f32.msk $0xffff, v3  }
0x145: {  	[tilespmem:s31+$0x120] =	vst.add.f32.msk $0xffff, v4  }
0x146: {  	[tilespmem:s31+$0x1A0] =	vst.add.f32.msk $0xffff, v5  }
0x147: {  	[tilespmem:s31+$0x220] =	vst.add.f32.msk $0xffff, v6  }
0x148: {  	[tilespmem:s31+$0x3F0] =	vst.add.f32.msk $0xffff, v1  }
0x149: {  	[tilespmem:s31+$0x2A0] =	vst.add.f32.msk $0xffff, v7  }
0x14a: {  	[tilespmem:s31+$0x320] =	vst.add.f32.msk $0xffff, v8  }
0x14b: {  	v1 =	vld.idx.msk [tilespmem:v0+s29+$0x30 ss:$0x1], $0xffff  }
0x14c: {  	v2 =	vld.idx.msk [tilespmem:v0+s29+$0xB0 ss:$0x1], $0xffff  }
0x14d: {  	v3 =	vld.idx.msk [tilespmem:v0+s29+$0x130 ss:$0x1], $0xffff  }
0x14e: {  	v4 =	vld.idx.msk [tilespmem:v0+s29+$0x1B0 ss:$0x1], $0xffff  }
0x14f: {  	v5 =	vld.idx.msk [tilespmem:v0+s29+$0x230 ss:$0x1], $0xffff  }
0x150: {  	v6 =	vld.idx.msk [tilespmem:v0+s29+$0x2B0 ss:$0x1], $0xffff  }
0x151: {  	v7 =	vld.idx.msk [tilespmem:v0+s29+$0x330 ss:$0x1], $0xffff  }
0x152: {  	[tilespmem:s31+$0x30] =	vst.add.f32.msk $0xffff, v1  }
0x153: {  	[tilespmem:s31+$0xB0] =	vst.add.f32.msk $0xffff, v2  }
0x154: {  	[tilespmem:s31+$0x130] =	vst.add.f32.msk $0xffff, v3  }
0x155: {  	[tilespmem:s31+$0x1B0] =	vst.add.f32.msk $0xffff, v4  }
0x156: {  	[tilespmem:s31+$0x230] =	vst.add.f32.msk $0xffff, v5  }
0x157: {  	[tilespmem:s31+$0x2B0] =	vst.add.f32.msk $0xffff, v6  }
0x158: {  	[tilespmem:s31+$0x330] =	vst.add.f32.msk $0xffff, v7  }
0x159: {  	v1 =	vld.idx.msk [tilespmem:v0+s29+$0x40 ss:$0x1], $0xffff  }
0x15a: {  	v2 =	vld.idx.msk [tilespmem:v0+s29+$0xC0 ss:$0x1], $0xffff  }
0x15b: {  	v3 =	vld.idx.msk [tilespmem:v0+s29+$0x140 ss:$0x1], $0xffff  }
0x15c: {  	v4 =	vld.idx.msk [tilespmem:v0+s29+$0x1C0 ss:$0x1], $0xffff  }
0x15d: {  	v5 =	vld.idx.msk [tilespmem:v0+s29+$0x240 ss:$0x1], $0xffff  }
0x15e: {  	v6 =	vld.idx.msk [tilespmem:v0+s29+$0x2C0 ss:$0x1], $0xffff  }
0x15f: {  	v7 =	vld.idx.msk [tilespmem:v0+s29+$0x340 ss:$0x1], $0xffff  }
0x160: {  	[tilespmem:s31+$0x40] =	vst.add.f32.msk $0xffff, v1  }
0x161: {  	[tilespmem:s31+$0xC0] =	vst.add.f32.msk $0xffff, v2  }
0x162: {  	[tilespmem:s31+$0x140] =	vst.add.f32.msk $0xffff, v3  }
0x163: {  	[tilespmem:s31+$0x1C0] =	vst.add.f32.msk $0xffff, v4  }
0x164: {  	[tilespmem:s31+$0x240] =	vst.add.f32.msk $0xffff, v5  }
0x165: {  	[tilespmem:s31+$0x2C0] =	vst.add.f32.msk $0xffff, v6  }
0x166: {  	[tilespmem:s31+$0x340] =	vst.add.f32.msk $0xffff, v7  }
0x167: {  	v1 =	vld.idx.msk [tilespmem:v0+s29+$0x50 ss:$0x1], $0xffff  }
0x168: {  	v2 =	vld.idx.msk [tilespmem:v0+s29+$0xD0 ss:$0x1], $0xffff  }
0x169: {  	v3 =	vld.idx.msk [tilespmem:v0+s29+$0x150 ss:$0x1], $0xffff  }
0x16a: {  	v4 =	vld.idx.msk [tilespmem:v0+s29+$0x1D0 ss:$0x1], $0xffff  }
0x16b: {  	v5 =	vld.idx.msk [tilespmem:v0+s29+$0x250 ss:$0x1], $0xffff  }
0x16c: {  	v6 =	vld.idx.msk [tilespmem:v0+s29+$0x2D0 ss:$0x1], $0xffff  }
0x16d: {  	v7 =	vld.idx.msk [tilespmem:v0+s29+$0x350 ss:$0x1], $0xffff  }
0x16e: {  	[tilespmem:s31+$0x50] =	vst.add.f32.msk $0xffff, v1  }
0x16f: {  	[tilespmem:s31+$0xD0] =	vst.add.f32.msk $0xffff, v2  }
0x170: {  	[tilespmem:s31+$0x150] =	vst.add.f32.msk $0xffff, v3  }
0x171: {  	[tilespmem:s31+$0x1D0] =	vst.add.f32.msk $0xffff, v4  }
0x172: {  	[tilespmem:s31+$0x250] =	vst.add.f32.msk $0xffff, v5  }
0x173: {  	[tilespmem:s31+$0x2D0] =	vst.add.f32.msk $0xffff, v6  }
0x174: {  	[tilespmem:s31+$0x350] =	vst.add.f32.msk $0xffff, v7  }
0x175: {  	v1 =	vld.idx.msk [tilespmem:v0+s29+$0x60 ss:$0x1], $0xffff  }
0x176: {  	v2 =	vld.idx.msk [tilespmem:v0+s29+$0xE0 ss:$0x1], $0xffff  }
0x177: {  	v3 =	vld.idx.msk [tilespmem:v0+s29+$0x160 ss:$0x1], $0xffff  }
0x178: {  	v4 =	vld.idx.msk [tilespmem:v0+s29+$0x1E0 ss:$0x1], $0xffff  }
0x179: {  	v5 =	vld.idx.msk [tilespmem:v0+s29+$0x260 ss:$0x1], $0xffff  }
0x17a: {  	v6 =	vld.idx.msk [tilespmem:v0+s29+$0x2E0 ss:$0x1], $0xffff  }
0x17b: {  	v7 =	vld.idx.msk [tilespmem:v0+s29+$0x360 ss:$0x1], $0xffff  }
0x17c: {  	[tilespmem:s31+$0x60] =	vst.add.f32.msk $0xffff, v1  }
0x17d: {  	[tilespmem:s31+$0xE0] =	vst.add.f32.msk $0xffff, v2  }
0x17e: {  	[tilespmem:s31+$0x160] =	vst.add.f32.msk $0xffff, v3  }
0x17f: {  	[tilespmem:s31+$0x1E0] =	vst.add.f32.msk $0xffff, v4  }
0x180: {  	[tilespmem:s31+$0x260] =	vst.add.f32.msk $0xffff, v5  }
0x181: {  	[tilespmem:s31+$0x2E0] =	vst.add.f32.msk $0xffff, v6  }
0x182: {  	[tilespmem:s31+$0x360] =	vst.add.f32.msk $0xffff, v7  }
0x183: {  	v1 =	vld.idx.msk [tilespmem:v0+s29+$0x70 ss:$0x1], $0xffff  }
0x184: {  	v2 =	vld.idx.msk [tilespmem:v0+s29+$0xF0 ss:$0x1], $0xffff  }
0x185: {  	v3 =	vld.idx.msk [tilespmem:v0+s29+$0x170 ss:$0x1], $0xffff  }
0x186: {  	v4 =	vld.idx.msk [tilespmem:v0+s29+$0x1F0 ss:$0x1], $0xffff  }
0x187: {  	v5 =	vld.idx.msk [tilespmem:v0+s29+$0x270 ss:$0x1], $0xffff  }
0x188: {  	v6 =	vld.idx.msk [tilespmem:v0+s29+$0x2F0 ss:$0x1], $0xffff  }
0x189: {  	v7 =	vld.idx.msk [tilespmem:v0+s29+$0x370 ss:$0x1], $0xffff  }
0x18a: {  	[tilespmem:s31+$0x70] =	vst.add.f32.msk $0xffff, v1  }
0x18b: {  	[tilespmem:s31+$0xF0] =	vst.add.f32.msk $0xffff, v2  }
.Ltmp1:
0x18c: {  	[tilespmem:s31+$0x170] =	vst.add.f32.msk $0xffff, v3;
	(pc) =	sbr.rel @p1 .LBB2_5-.Ltmp1, $4  }
0x18d: {  	[tilespmem:s31+$0x1F0] =	vst.add.f32.msk $0xffff, v4  }
0x18e: {  	[tilespmem:s31+$0x270] =	vst.add.f32.msk $0xffff, v5  }
0x18f: {  	[tilespmem:s31+$0x2F0] =	vst.add.f32.msk $0xffff, v6  }
0x190: {  	s29 =	sadd.s32 $0x400, s29;
	[tilespmem:s31+$0x370] =	vst.add.f32.msk $0xffff, v7  }
0x191: {  	s2 =	sadd.s32 s6, s22;
	s22 =	sadd.s32 $0x1, s22  }
0x192: {  	p1 =	sne.s32 s22, s7  }
.Ltmp2:
0x193: {  	_ = 	snop;
	(pc) =	sbr.rel @p1 .LBB2_4-.Ltmp2, $4  }
0x194: {  	s2 =	sshll.u32 s2, $0xB  }
0x195: {  	s25 =	sadd.s32 $0x12500, s26;
	s24 =	sadd.s32 $0x7, s24;
	s2 =	sand.u32 $0x1FFFF800, s2  }
0x196: {  	s23 =	sadd.s32 $0x4000, s23;
	s21 =	sadd.s32 $0x4000, s21;
	s2 =	sadd.s32 s4, s2  }
0x197: {  	[hbm4b:s2+s5] =	stream.linear.scatter [tilespmem:s25], [sflag:s24], $0x4000, $0x38;
	[tilespmem:$0x1E500] =	vst v63  }
0x198: {  	_ =	swait.ge [sflag:s11], $0x4000  }
0x199: {  	[sflag:s11] =	ssyncset.done $0x0  }
0x19a: {  	s20 =	sadd.s32 $0x1, s20;
	[sflag:s11] =	ssyncadd.s32 $0xFFFFC000  }
0x19b: {  	p1 =	sne.s32 s20, s14;
	_ =	swait.ge [sflag:s12], $0x4000  }
.Ltmp3:
0x19c: {  	[sflag:s12] =	ssyncset.done $0x0;
	(pc) =	sbr.rel @p1 .LBB2_1-.Ltmp3, $4  }
0x19d: {  	[sflag:s12] =	ssyncadd.s32 $0xFFFFC000  }
0x19e: {  	_ =	swait.ge [sflag:s13], $0x4000  }
0x19f: {  	[sflag:s13] =	ssyncset.done $0x0  }
0x1a0: {  	[sflag:s13] =	ssyncadd.s32 $0xFFFFC000  }
0x1a1: {  	_ =	sfence.sel $0x180000  }
0x1a2: {  	[bflag:$0x0] =	sbarrier.arrive $0xFFFF  }
0x1a3: {  	_ =	strace $0x90000047  }
0x1a4: {  	[bflag:$0x2] =	sbarrier.arrive $0xFFFF  }
0x1a5: {  	p0 =	sne.s32 s0, $0x0;
	s0 =	rddreg [dreg:$0x4]  }
0x1a6: {  	s0 =	sadd.s32 @!p0 $0x100000, s0  }
0x1a7: {  	[sflag:s0] =	ssyncadd.tile.s32 @!p0 $0x1;
	_ =	shalt  }
.Lfunc_end2:
_tile_overlayer_lowered:
.L_overlay_start_2:
0x1a8: {  	(tag) =	ssettag $0x2  }
0x1a9: {  	s0 =	rddreg [dreg:$0x0];
	s2 =	stileid.u32  }
0x1aa: {  	s1 =	rddreg [dreg:$0x1];
	p0 =	sne.s32 s2, $0x0  }
0x1ab: {  	s3 =	rddreg [dreg:$0x2];
	[bflag:$0x3] =	sbarrier.arrive $0xFFFF;
	s2 =	simm.s32 @!p0 $0x1C0A  }
0x1ac: {  	[timem:s3], [sflag:s2] =	dma.local @!p0 [hbm:s0], s1  }
0x1ad: {  	s0 =	simm.s32 @!p0 $0xA  }
0x1ae: {  	_ =	swait.ge @!p0 [sflag:s0], s1  }
0x1af: {  	s1 =	ssub.s32 @!p0 $0x0, s1;
	[sflag:s0] =	ssyncset.done @!p0 $0x0  }
0x1b0: {  	[sflag:s0] =	ssyncadd.s32 @!p0 s1  }
0x1b1: {  	[bflag:$0x3] =	sbarrier.arrive $0xFFFF  }
0x1b2: {  	_ =	shalt  }

</sc_bundles>
